<compile_context>
chip_gen: v7x
topology: tpu7x:2x2x1
jax: 0.10.2.dev20260603
libtpu: 0.0.44.dev20260713+nightly
codegen_flags: <defaults>
</compile_context>

<pallas_src>
import functools

import jax
import jax.numpy as jnp
from jax import lax
from jax.experimental import pallas as pl
from jax.experimental.pallas import tpu as pltpu
from jax.experimental.pallas import tpu_sc as plsc

VOC = 1000000
EMB = 32
HID = 8
OUT = 10
OUTP = 32
B = 16384
L = 50
N = B * L

A_BM = 2000


def _table_body(e_ref, w1bd_ref, b1_ref, w2bd_ref, b2_ref, o_ref):
    e = e_ref[...]
    h = jnp.dot(e, w1bd_ref[...], preferred_element_type=jnp.float32)
    h = jnp.maximum(h + b1_ref[...], 0.0)
    z = jnp.dot(h, w2bd_ref[...], preferred_element_type=jnp.float32)
    o_ref[...] = jnp.exp(z + b2_ref[...])


def _transform_table(emb_r, w1bd, b1big, w2bd, b2big):
    return pl.pallas_call(
        _table_body,
        grid=(VOC // 4 // A_BM,),
        in_specs=[
            pl.BlockSpec((A_BM, 128), lambda i: (i, 0)),
            pl.BlockSpec((128, 32), lambda i: (0, 0)),
            pl.BlockSpec((1, 32), lambda i: (0, 0)),
            pl.BlockSpec((32, 128), lambda i: (0, 0)),
            pl.BlockSpec((1, 128), lambda i: (0, 0)),
        ],
        out_specs=pl.BlockSpec((A_BM, 128), lambda i: (i, 0)),
        out_shape=jax.ShapeDtypeStruct((VOC // 4, 128), jnp.float32),
    )(emb_r, w1bd, b1big, w2bd, b2big)


SC_NC = 2
SC_NS = 16
NW = SC_NC * SC_NS
N_PER_W = N // NW
GCHUNK = 1280
NCHUNK = N_PER_W // GCHUNK


def _gather_body(table_hbm, idx_hbm, out_hbm, idx_v, rows0_v, rows1_v,
                 semg, semw):
    wid = lax.axis_index("s") * SC_NC + lax.axis_index("c")
    base = wid * N_PER_W
    pltpu.sync_copy(idx_hbm.at[pl.ds(base, N_PER_W)], idx_v)
    bufs = (rows0_v, rows1_v)
    gathers = [None] * NCHUNK
    writes = [None] * NCHUNK
    for j in range(NCHUNK):
        if j >= 2:
            writes[j - 2].wait()
        gathers[j] = pltpu.async_copy(
            table_hbm.at[idx_v.at[pl.ds(j * GCHUNK, GCHUNK)]],
            bufs[j % 2], semg)
        if j >= 1:
            gathers[j - 1].wait()
            writes[j - 1] = pltpu.async_copy(
                bufs[(j - 1) % 2],
                out_hbm.at[pl.ds(base + (j - 1) * GCHUNK, GCHUNK)], semw)
    gathers[NCHUNK - 1].wait()
    writes[NCHUNK - 1] = pltpu.async_copy(
        bufs[(NCHUNK - 1) % 2],
        out_hbm.at[pl.ds(base + (NCHUNK - 1) * GCHUNK, GCHUNK)], semw)
    writes[NCHUNK - 2].wait()
    writes[NCHUNK - 1].wait()


def _sc_gather(table, flat_idx):
    mesh = plsc.VectorSubcoreMesh(core_axis_name="c", subcore_axis_name="s")
    return pl.kernel(
        _gather_body,
        out_type=jax.ShapeDtypeStruct((N, OUTP), jnp.float32),
        mesh=mesh,
        scratch_types=[
            pltpu.VMEM((N_PER_W,), jnp.int32),
            pltpu.VMEM((GCHUNK, OUTP), jnp.float32),
            pltpu.VMEM((GCHUNK, OUTP), jnp.float32),
            pltpu.SemaphoreType.DMA,
            pltpu.SemaphoreType.DMA,
        ],
        compiler_params=pltpu.CompilerParams(use_tc_tiling_on_sc=False),
    )(table, flat_idx)


NP = N // 4
C_BM = 3200


NB = NP // C_BM


def _cd_body(p25_ref, g_ref, p25t_ref, sel_ref, o_ref, s_acc):
    i = pl.program_id(0)

    @pl.when(i == 0)
    def _init():
        s_acc[...] = jnp.zeros_like(s_acc)

    @pl.when(i < NB)
    def _accum():
        s_acc[...] += jnp.dot(p25_ref[...], g_ref[...],
                              preferred_element_type=jnp.float32)

    @pl.when(i >= NB)
    def _divide():
        s = s_acc[...]
        x0, x1, x2, x3 = (s[:, 0:32], s[:, 32:64], s[:, 64:96], s[:, 96:128])
        alias = jnp.concatenate(
            [
                jnp.concatenate([x2[12:], x2[:12]], axis=0),
                jnp.concatenate([x3[12:], x3[:12]], axis=0),
                jnp.concatenate([x0[13:], x0[:13]], axis=0),
                jnp.concatenate([x1[13:], x1[:13]], axis=0),
            ],
            axis=1,
        )
        tot = s + alias
        totc = jnp.dot(tot, sel_ref[...], preferred_element_type=jnp.float32)
        sbig = jnp.dot(p25t_ref[...], totc, preferred_element_type=jnp.float32)
        gc = jnp.dot(g_ref[...], sel_ref[...],
                     preferred_element_type=jnp.float32)
        o_ref[...] = gc / sbig


def _softmax_cd(gp, p25, p25t, sel):
    blk = lambda i: (jnp.where(i < NB, i, i - NB), 0)
    return pl.pallas_call(
        _cd_body,
        grid=(2 * NB,),
        in_specs=[
            pl.BlockSpec((25, C_BM), lambda i: (0, 0)),
            pl.BlockSpec((C_BM, 128), blk),
            pl.BlockSpec((C_BM, 25), lambda i: (0, 0)),
            pl.BlockSpec((128, 40), lambda i: (0, 0)),
        ],
        out_specs=pl.BlockSpec((C_BM, 40), blk),
        out_shape=jax.ShapeDtypeStruct((NP, 40), jnp.float32),
        scratch_shapes=[pltpu.VMEM((25, 128), jnp.float32)],
    )(p25, gp, p25t, sel)


@jax.jit
def kernel(inlayer, embedding, W1, b1, W2, b2):
    w1t = W1.T
    w2t_p = jnp.zeros((HID, OUTP), jnp.float32).at[:, :OUT].set(W2.T)
    b2_p = jnp.zeros((OUTP,), jnp.float32).at[:OUT].set(b2)
    eye4 = jnp.eye(4, dtype=jnp.float32)
    w1bd = (eye4[:, None, :, None] * w1t[None, :, None, :]).reshape(128, 32)
    w2bd = (eye4[:, None, :, None] * w2t_p[None, :, None, :]).reshape(32, 128)
    b1big = jnp.tile(b1, 4).reshape(1, 32)
    b2big = jnp.tile(b2_p, 4).reshape(1, 128)

    p25 = (jnp.arange(25, dtype=jnp.int32)[:, None]
           == (jnp.arange(C_BM, dtype=jnp.int32) % 25)[None, :]).astype(jnp.float32)
    p25t = p25.T
    a_grp = jnp.arange(128, dtype=jnp.int32) // 32
    o_lane = jnp.arange(128, dtype=jnp.int32) % 32
    sel_cols = jnp.arange(40, dtype=jnp.int32)
    sel = ((sel_cols[None, :] // OUT == a_grp[:, None])
           & (sel_cols[None, :] % OUT == o_lane[:, None])).astype(jnp.float32)

    emb_r = embedding.reshape(VOC // 4, 128)
    t128 = _transform_table(emb_r, w1bd, b1big, w2bd, b2big)
    table = t128.reshape(VOC, OUTP)
    flat_idx = inlayer.reshape(-1).astype(jnp.int32)
    g = _sc_gather(table, flat_idx)
    gp = g.reshape(NP, 128)
    out40 = _softmax_cd(gp, p25, p25t, sel)
    return out40.reshape(B, L, OUT)

# --- scband reference (transcript-rebuilt; emitter-appended) ---
"""Pipeline reference for scband-model-60215441490648 (READ-ONLY COPY).

The authoritative reference and input builder live on the scoring server;
editing this copy changes nothing except your own understanding.
"""

import jax, jax.numpy as jnp
import numpy as np

VOC_SIZE = 1000000
EMBED_DIM = 32
HIDDEN = 8
OUTPUT_SIZE = 10
BATCH = 16384
HIST_LEN = 50


def setup_inputs(seed: int = 0) -> dict:
    key = jax.random.key(seed)
    k_idx, k_emb, k_w1, k_b1, k_w2, k_b2 = jax.random.split(key, 6)
    inlayer = jax.random.randint(k_idx, (BATCH, HIST_LEN), 0, VOC_SIZE, dtype=jnp.int64 if jax.config.jax_enable_x64 else jnp.int32)
    embedding = jax.random.normal(k_emb, (VOC_SIZE, EMBED_DIM), dtype=jnp.float32)
    # nn.Linear(embed_dim, 8): weight [8, embed_dim], bias [8]
    bound1 = 1.0 / np.sqrt(EMBED_DIM)
    W1 = jax.random.uniform(k_w1, (HIDDEN, EMBED_DIM), minval=-bound1, maxval=bound1, dtype=jnp.float32)
    b1 = jax.random.uniform(k_b1, (HIDDEN,), minval=-bound1, maxval=bound1, dtype=jnp.float32)
    # nn.Linear(8, output_size): weight [output_size, 8], bias [output_size]
    bound2 = 1.0 / np.sqrt(HIDDEN)
    W2 = jax.random.uniform(k_w2, (OUTPUT_SIZE, HIDDEN), minval=-bound2, maxval=bound2, dtype=jnp.float32)
    b2 = jax.random.uniform(k_b2, (OUTPUT_SIZE,), minval=-bound2, maxval=bound2, dtype=jnp.float32)
    return {"inlayer": inlayer, "embedding": embedding, "W1": W1, "b1": b1, "W2": W2, "b2": b2}


def reference(inlayer, embedding, W1, b1, W2, b2):
    # emd = self.embedding(inlayer)
    emd = jnp.take(embedding, inlayer, axis=0)  # [B, L, embed_dim]
    # h_out = self.hidlayer(emd); relu
    h_out = jnp.dot(emd, W1.T) + b1  # [B, L, 8]
    h_out = jax.nn.relu(h_out)
    # out = self.outlayer(h_out); softmax (torch default dim=-1 for F.softmax without dim on >=2D gives last dim warning behavior -> dim=-1 here for 3D input per _get_softmax_dim: ndim>3? no: ndim==3 -> dim=0... actually torch _get_softmax_dim returns 0 if ndim in (0,1,3) else 1)
    out = jnp.dot(h_out, W2.T) + b2  # [B, L, output_size]
    # F.softmax(out) with no dim and 3-D input: torch picks dim=0 (legacy behavior for ndim==3)
    out = jax.nn.softmax(out, axis=0)
    return out

if __name__ == "__main__":
    import jax
    _d = setup_inputs()
    print(jax.jit(kernel)(*tuple(_d.values())))

</pallas_src>

<mosaic_0001>
#map = affine_map<(d0, d1) -> (0, 0)>
#map1 = affine_map<(d0, d1) -> (0)>
module attributes {stable_mosaic.version = 14 : i64} {
  func.func @_gather_body(%arg0: i32, %arg1: i32, %arg2: memref<1000000x32xf32, #tpu.memory_space<hbm>>, %arg3: memref<819200xi32, #tpu.memory_space<hbm>>, %arg4: memref<819200x32xf32, #tpu.memory_space<hbm>>, %arg5: memref<25600xi32, #tpu.memory_space<vmem>>, %arg6: memref<1280x32xf32, #tpu.memory_space<vmem>>, %arg7: memref<1280x32xf32, #tpu.memory_space<vmem>>, %arg8: memref<!tpu.dma_semaphore, #tpu.memory_space<semaphore_mem>>, %arg9: memref<!tpu.dma_semaphore, #tpu.memory_space<semaphore_mem>>) attributes {dimension_semantics = [#tpu.dimension_semantics<core_parallel>, #tpu.dimension_semantics<subcore_parallel>], iteration_bounds = array<i64: 2, 16>, scalar_prefetch = 0 : i64, scratch_operands = 5 : i64, tpu.core_type = #tpu.core_type<sc_vector_subcore>, window_params = [{transform_indices = #map}, {transform_indices = #map1}, {transform_indices = #map}]} {
    %mul3A = arith.constant 2 : i32
    %mul3A_0 = arith.muli %arg1, %mul3A : i32
    %add3A = arith.addi %mul3A_0, %arg0 : i32
    %mul3A_1 = arith.constant 25600 : i32
    %mul3A_2 = arith.muli %add3A, %mul3A_1 : i32
    "tpu.region"() ({
      %run_scoped3A = tpu.sem_alloc : memref<!tpu.dma_semaphore, #tpu.memory_space<semaphore_mem>>
      %dma_start3A_401 = tpu.memref_slice %arg3[%mul3A_2] : memref<819200xi32, #tpu.memory_space<hbm>> -> memref<25600xi32, #tpu.memory_space<hbm>>
      %dma_start3A_402 = tpu.memref_slice %arg3[%mul3A_2] : memref<819200xi32, #tpu.memory_space<hbm>> -> memref<25600xi32, #tpu.memory_space<hbm>>
      tpu.enqueue_dma source(%dma_start3A_402 : memref<25600xi32, #tpu.memory_space<hbm>>) target(%arg5 : memref<25600xi32, #tpu.memory_space<vmem>>) target_semaphore(%run_scoped3A : memref<!tpu.dma_semaphore, #tpu.memory_space<semaphore_mem>>)
      %dma_wait3A_403 = tpu.memref_slice %arg3[%mul3A_2] : memref<819200xi32, #tpu.memory_space<hbm>> -> memref<25600xi32, #tpu.memory_space<hbm>>
      %dma_wait3A_404 = tpu.memref_slice %arg3[%mul3A_2] : memref<819200xi32, #tpu.memory_space<hbm>> -> memref<25600xi32, #tpu.memory_space<hbm>>
      tpu.wait_dma2 semaphore(%run_scoped3A : memref<!tpu.dma_semaphore, #tpu.memory_space<semaphore_mem>>) src(%dma_wait3A_404 : memref<25600xi32, #tpu.memory_space<hbm>>) dst(%arg5 : memref<25600xi32, #tpu.memory_space<vmem>>)
      tpu.yield
    }) : () -> ()
    %dma_start3A = arith.constant 0 : i32
    %dma_start3A_3 = tpu.memref_slice %arg5[%dma_start3A] : memref<25600xi32, #tpu.memory_space<vmem>> -> memref<1280xi32, #tpu.memory_space<vmem>>
    %dma_start3A_4 = arith.constant 0 : i32
    %dma_start3A_5 = arith.constant 0 : i32
    %dma_start3A_6 = tpu.memref_slice %arg2[%dma_start3A_4, %dma_start3A_5] : memref<1000000x32xf32, #tpu.memory_space<hbm>> -> memref<1000000x32xf32, #tpu.memory_space<hbm>>
    tpu.enqueue_indirect_dma source(%dma_start3A_6 : memref<1000000x32xf32, #tpu.memory_space<hbm>>) target(%arg6 : memref<1280x32xf32, #tpu.memory_space<vmem>>) offsets(%dma_start3A_3 : memref<1280xi32, #tpu.memory_space<vmem>>) semaphore(%arg8 : memref<!tpu.dma_semaphore, #tpu.memory_space<semaphore_mem>>)
    %dma_start3A_7 = arith.constant 1280 : i32
    %dma_start3A_8 = tpu.memref_slice %arg5[%dma_start3A_7] : memref<25600xi32, #tpu.memory_space<vmem>> -> memref<1280xi32, #tpu.memory_space<vmem>>
    %dma_start3A_9 = arith.constant 0 : i32
    %dma_start3A_10 = arith.constant 0 : i32
    %dma_start3A_11 = tpu.memref_slice %arg2[%dma_start3A_9, %dma_start3A_10] : memref<1000000x32xf32, #tpu.memory_space<hbm>> -> memref<1000000x32xf32, #tpu.memory_space<hbm>>
    tpu.enqueue_indirect_dma source(%dma_start3A_11 : memref<1000000x32xf32, #tpu.memory_space<hbm>>) target(%arg7 : memref<1280x32xf32, #tpu.memory_space<vmem>>) offsets(%dma_start3A_8 : memref<1280xi32, #tpu.memory_space<vmem>>) semaphore(%arg8 : memref<!tpu.dma_semaphore, #tpu.memory_space<semaphore_mem>>)
    %dma_wait3A = arith.constant 0 : i32
    %dma_wait3A_12 = tpu.memref_slice %arg5[%dma_wait3A] : memref<25600xi32, #tpu.memory_space<vmem>> -> memref<1280xi32, #tpu.memory_space<vmem>>
    %dma_wait3A_13 = arith.constant 0 : i32
    %dma_wait3A_14 = arith.constant 0 : i32
    %dma_wait3A_15 = tpu.memref_slice %arg2[%dma_wait3A_13, %dma_wait3A_14] : memref<1000000x32xf32, #tpu.memory_space<hbm>> -> memref<1000000x32xf32, #tpu.memory_space<hbm>>
    tpu.wait_indirect_dma semaphore(%arg8 : memref<!tpu.dma_semaphore, #tpu.memory_space<semaphore_mem>>) src(%dma_wait3A_15 : memref<1000000x32xf32, #tpu.memory_space<hbm>>) dst(%arg6 : memref<1280x32xf32, #tpu.memory_space<vmem>>)
    %add3A_16 = arith.constant 0 : i32
    %add3A_17 = arith.addi %mul3A_2, %add3A_16 : i32
    %dma_start3A_18 = arith.constant 0 : i32
    %dma_start3A_19 = tpu.memref_slice %arg4[%add3A_17, %dma_start3A_18] : memref<819200x32xf32, #tpu.memory_space<hbm>> -> memref<1280x32xf32, #tpu.memory_space<hbm>>
    %dma_start3A_20 = arith.constant 0 : i32
    %dma_start3A_21 = tpu.memref_slice %arg4[%add3A_17, %dma_start3A_20] : memref<819200x32xf32, #tpu.memory_space<hbm>> -> memref<1280x32xf32, #tpu.memory_space<hbm>>
    tpu.enqueue_dma source(%arg6 : memref<1280x32xf32, #tpu.memory_space<vmem>>) target(%dma_start3A_21 : memref<1280x32xf32, #tpu.memory_space<hbm>>) target_semaphore(%arg9 : memref<!tpu.dma_semaphore, #tpu.memory_space<semaphore_mem>>)
    %dma_wait3A_22 = arith.constant 0 : i32
    %dma_wait3A_23 = tpu.memref_slice %arg4[%add3A_17, %dma_wait3A_22] : memref<819200x32xf32, #tpu.memory_space<hbm>> -> memref<1280x32xf32, #tpu.memory_space<hbm>>
    %dma_wait3A_24 = arith.constant 0 : i32
    %dma_wait3A_25 = tpu.memref_slice %arg4[%add3A_17, %dma_wait3A_24] : memref<819200x32xf32, #tpu.memory_space<hbm>> -> memref<1280x32xf32, #tpu.memory_space<hbm>>
    tpu.wait_dma2 semaphore(%arg9 : memref<!tpu.dma_semaphore, #tpu.memory_space<semaphore_mem>>) src(%arg6 : memref<1280x32xf32, #tpu.memory_space<vmem>>) dst(%dma_wait3A_25 : memref<1280x32xf32, #tpu.memory_space<hbm>>)
    %dma_start3A_26 = arith.constant 2560 : i32
    %dma_start3A_27 = tpu.memref_slice %arg5[%dma_start3A_26] : memref<25600xi32, #tpu.memory_space<vmem>> -> memref<1280xi32, #tpu.memory_space<vmem>>
    %dma_start3A_28 = arith.constant 0 : i32
    %dma_start3A_29 = arith.constant 0 : i32
    %dma_start3A_30 = tpu.memref_slice %arg2[%dma_start3A_28, %dma_start3A_29] : memref<1000000x32xf32, #tpu.memory_space<hbm>> -> memref<1000000x32xf32, #tpu.memory_space<hbm>>
    tpu.enqueue_indirect_dma source(%dma_start3A_30 : memref<1000000x32xf32, #tpu.memory_space<hbm>>) target(%arg6 : memref<1280x32xf32, #tpu.memory_space<vmem>>) offsets(%dma_start3A_27 : memref<1280xi32, #tpu.memory_space<vmem>>) semaphore(%arg8 : memref<!tpu.dma_semaphore, #tpu.memory_space<semaphore_mem>>)
    %dma_wait3A_31 = arith.constant 1280 : i32
    %dma_wait3A_32 = tpu.memref_slice %arg5[%dma_wait3A_31] : memref<25600xi32, #tpu.memory_space<vmem>> -> memref<1280xi32, #tpu.memory_space<vmem>>
    %dma_wait3A_33 = arith.constant 0 : i32
    %dma_wait3A_34 = arith.constant 0 : i32
    %dma_wait3A_35 = tpu.memref_slice %arg2[%dma_wait3A_33, %dma_wait3A_34] : memref<1000000x32xf32, #tpu.memory_space<hbm>> -> memref<1000000x32xf32, #tpu.memory_space<hbm>>
    tpu.wait_indirect_dma semaphore(%arg8 : memref<!tpu.dma_semaphore, #tpu.memory_space<semaphore_mem>>) src(%dma_wait3A_35 : memref<1000000x32xf32, #tpu.memory_space<hbm>>) dst(%arg7 : memref<1280x32xf32, #tpu.memory_space<vmem>>)
    %add3A_36 = arith.constant 1280 : i32
    %add3A_37 = arith.addi %mul3A_2, %add3A_36 : i32
    %dma_start3A_38 = arith.constant 0 : i32
    %dma_start3A_39 = tpu.memref_slice %arg4[%add3A_37, %dma_start3A_38] : memref<819200x32xf32, #tpu.memory_space<hbm>> -> memref<1280x32xf32, #tpu.memory_space<hbm>>
    %dma_start3A_40 = arith.constant 0 : i32
    %dma_start3A_41 = tpu.memref_slice %arg4[%add3A_37, %dma_start3A_40] : memref<819200x32xf32, #tpu.memory_space<hbm>> -> memref<1280x32xf32, #tpu.memory_space<hbm>>
    tpu.enqueue_dma source(%arg7 : memref<1280x32xf32, #tpu.memory_space<vmem>>) target(%dma_start3A_41 : memref<1280x32xf32, #tpu.memory_space<hbm>>) target_semaphore(%arg9 : memref<!tpu.dma_semaphore, #tpu.memory_space<semaphore_mem>>)
    %dma_wait3A_42 = arith.constant 0 : i32
    %dma_wait3A_43 = tpu.memref_slice %arg4[%add3A_37, %dma_wait3A_42] : memref<819200x32xf32, #tpu.memory_space<hbm>> -> memref<1280x32xf32, #tpu.memory_space<hbm>>
    %dma_wait3A_44 = arith.constant 0 : i32
    %dma_wait3A_45 = tpu.memref_slice %arg4[%add3A_37, %dma_wait3A_44] : memref<819200x32xf32, #tpu.memory_space<hbm>> -> memref<1280x32xf32, #tpu.memory_space<hbm>>
    tpu.wait_dma2 semaphore(%arg9 : memref<!tpu.dma_semaphore, #tpu.memory_space<semaphore_mem>>) src(%arg7 : memref<1280x32xf32, #tpu.memory_space<vmem>>) dst(%dma_wait3A_45 : memref<1280x32xf32, #tpu.memory_space<hbm>>)
    %dma_start3A_46 = arith.constant 3840 : i32
    %dma_start3A_47 = tpu.memref_slice %arg5[%dma_start3A_46] : memref<25600xi32, #tpu.memory_space<vmem>> -> memref<1280xi32, #tpu.memory_space<vmem>>
    %dma_start3A_48 = arith.constant 0 : i32
    %dma_start3A_49 = arith.constant 0 : i32
    %dma_start3A_50 = tpu.memref_slice %arg2[%dma_start3A_48, %dma_start3A_49] : memref<1000000x32xf32, #tpu.memory_space<hbm>> -> memref<1000000x32xf32, #tpu.memory_space<hbm>>
    tpu.enqueue_indirect_dma source(%dma_start3A_50 : memref<1000000x32xf32, #tpu.memory_space<hbm>>) target(%arg7 : memref<1280x32xf32, #tpu.memory_space<vmem>>) offsets(%dma_start3A_47 : memref<1280xi32, #tpu.memory_space<vmem>>) semaphore(%arg8 : memref<!tpu.dma_semaphore, #tpu.memory_space<semaphore_mem>>)
    %dma_wait3A_51 = arith.constant 2560 : i32
    %dma_wait3A_52 = tpu.memref_slice %arg5[%dma_wait3A_51] : memref<25600xi32, #tpu.memory_space<vmem>> -> memref<1280xi32, #tpu.memory_space<vmem>>
    %dma_wait3A_53 = arith.constant 0 : i32
    %dma_wait3A_54 = arith.constant 0 : i32
    %dma_wait3A_55 = tpu.memref_slice %arg2[%dma_wait3A_53, %dma_wait3A_54] : memref<1000000x32xf32, #tpu.memory_space<hbm>> -> memref<1000000x32xf32, #tpu.memory_space<hbm>>
    tpu.wait_indirect_dma semaphore(%arg8 : memref<!tpu.dma_semaphore, #tpu.memory_space<semaphore_mem>>) src(%dma_wait3A_55 : memref<1000000x32xf32, #tpu.memory_space<hbm>>) dst(%arg6 : memref<1280x32xf32, #tpu.memory_space<vmem>>)
    %add3A_56 = arith.constant 2560 : i32
    %add3A_57 = arith.addi %mul3A_2, %add3A_56 : i32
    %dma_start3A_58 = arith.constant 0 : i32
    %dma_start3A_59 = tpu.memref_slice %arg4[%add3A_57, %dma_start3A_58] : memref<819200x32xf32, #tpu.memory_space<hbm>> -> memref<1280x32xf32, #tpu.memory_space<hbm>>
    %dma_start3A_60 = arith.constant 0 : i32
    %dma_start3A_61 = tpu.memref_slice %arg4[%add3A_57, %dma_start3A_60] : memref<819200x32xf32, #tpu.memory_space<hbm>> -> memref<1280x32xf32, #tpu.memory_space<hbm>>
    tpu.enqueue_dma source(%arg6 : memref<1280x32xf32, #tpu.memory_space<vmem>>) target(%dma_start3A_61 : memref<1280x32xf32, #tpu.memory_space<hbm>>) target_semaphore(%arg9 : memref<!tpu.dma_semaphore, #tpu.memory_space<semaphore_mem>>)
    %dma_wait3A_62 = arith.constant 0 : i32
    %dma_wait3A_63 = tpu.memref_slice %arg4[%add3A_57, %dma_wait3A_62] : memref<819200x32xf32, #tpu.memory_space<hbm>> -> memref<1280x32xf32, #tpu.memory_space<hbm>>
    %dma_wait3A_64 = arith.constant 0 : i32
    %dma_wait3A_65 = tpu.memref_slice %arg4[%add3A_57, %dma_wait3A_64] : memref<819200x32xf32, #tpu.memory_space<hbm>> -> memref<1280x32xf32, #tpu.memory_space<hbm>>
    tpu.wait_dma2 semaphore(%arg9 : memref<!tpu.dma_semaphore, #tpu.memory_space<semaphore_mem>>) src(%arg6 : memref<1280x32xf32, #tpu.memory_space<vmem>>) dst(%dma_wait3A_65 : memref<1280x32xf32, #tpu.memory_space<hbm>>)
    %dma_start3A_66 = arith.constant 5120 : i32
    %dma_start3A_67 = tpu.memref_slice %arg5[%dma_start3A_66] : memref<25600xi32, #tpu.memory_space<vmem>> -> memref<1280xi32, #tpu.memory_space<vmem>>
    %dma_start3A_68 = arith.constant 0 : i32
    %dma_start3A_69 = arith.constant 0 : i32
    %dma_start3A_70 = tpu.memref_slice %arg2[%dma_start3A_68, %dma_start3A_69] : memref<1000000x32xf32, #tpu.memory_space<hbm>> -> memref<1000000x32xf32, #tpu.memory_space<hbm>>
    tpu.enqueue_indirect_dma source(%dma_start3A_70 : memref<1000000x32xf32, #tpu.memory_space<hbm>>) target(%arg6 : memref<1280x32xf32, #tpu.memory_space<vmem>>) offsets(%dma_start3A_67 : memref<1280xi32, #tpu.memory_space<vmem>>) semaphore(%arg8 : memref<!tpu.dma_semaphore, #tpu.memory_space<semaphore_mem>>)
    %dma_wait3A_71 = arith.constant 3840 : i32
    %dma_wait3A_72 = tpu.memref_slice %arg5[%dma_wait3A_71] : memref<25600xi32, #tpu.memory_space<vmem>> -> memref<1280xi32, #tpu.memory_space<vmem>>
    %dma_wait3A_73 = arith.constant 0 : i32
    %dma_wait3A_74 = arith.constant 0 : i32
    %dma_wait3A_75 = tpu.memref_slice %arg2[%dma_wait3A_73, %dma_wait3A_74] : memref<1000000x32xf32, #tpu.memory_space<hbm>> -> memref<1000000x32xf32, #tpu.memory_space<hbm>>
    tpu.wait_indirect_dma semaphore(%arg8 : memref<!tpu.dma_semaphore, #tpu.memory_space<semaphore_mem>>) src(%dma_wait3A_75 : memref<1000000x32xf32, #tpu.memory_space<hbm>>) dst(%arg7 : memref<1280x32xf32, #tpu.memory_space<vmem>>)
    %add3A_76 = arith.constant 3840 : i32
    %add3A_77 = arith.addi %mul3A_2, %add3A_76 : i32
    %dma_start3A_78 = arith.constant 0 : i32
    %dma_start3A_79 = tpu.memref_slice %arg4[%add3A_77, %dma_start3A_78] : memref<819200x32xf32, #tpu.memory_space<hbm>> -> memref<1280x32xf32, #tpu.memory_space<hbm>>
    %dma_start3A_80 = arith.constant 0 : i32
    %dma_start3A_81 = tpu.memref_slice %arg4[%add3A_77, %dma_start3A_80] : memref<819200x32xf32, #tpu.memory_space<hbm>> -> memref<1280x32xf32, #tpu.memory_space<hbm>>
    tpu.enqueue_dma source(%arg7 : memref<1280x32xf32, #tpu.memory_space<vmem>>) target(%dma_start3A_81 : memref<1280x32xf32, #tpu.memory_space<hbm>>) target_semaphore(%arg9 : memref<!tpu.dma_semaphore, #tpu.memory_space<semaphore_mem>>)
    %dma_wait3A_82 = arith.constant 0 : i32
    %dma_wait3A_83 = tpu.memref_slice %arg4[%add3A_77, %dma_wait3A_82] : memref<819200x32xf32, #tpu.memory_space<hbm>> -> memref<1280x32xf32, #tpu.memory_space<hbm>>
    %dma_wait3A_84 = arith.constant 0 : i32
    %dma_wait3A_85 = tpu.memref_slice %arg4[%add3A_77, %dma_wait3A_84] : memref<819200x32xf32, #tpu.memory_space<hbm>> -> memref<1280x32xf32, #tpu.memory_space<hbm>>
    tpu.wait_dma2 semaphore(%arg9 : memref<!tpu.dma_semaphore, #tpu.memory_space<semaphore_mem>>) src(%arg7 : memref<1280x32xf32, #tpu.memory_space<vmem>>) dst(%dma_wait3A_85 : memref<1280x32xf32, #tpu.memory_space<hbm>>)
    %dma_start3A_86 = arith.constant 6400 : i32
    %dma_start3A_87 = tpu.memref_slice %arg5[%dma_start3A_86] : memref<25600xi32, #tpu.memory_space<vmem>> -> memref<1280xi32, #tpu.memory_space<vmem>>
    %dma_start3A_88 = arith.constant 0 : i32
    %dma_start3A_89 = arith.constant 0 : i32
    %dma_start3A_90 = tpu.memref_slice %arg2[%dma_start3A_88, %dma_start3A_89] : memref<1000000x32xf32, #tpu.memory_space<hbm>> -> memref<1000000x32xf32, #tpu.memory_space<hbm>>
    tpu.enqueue_indirect_dma source(%dma_start3A_90 : memref<1000000x32xf32, #tpu.memory_space<hbm>>) target(%arg7 : memref<1280x32xf32, #tpu.memory_space<vmem>>) offsets(%dma_start3A_87 : memref<1280xi32, #tpu.memory_space<vmem>>) semaphore(%arg8 : memref<!tpu.dma_semaphore, #tpu.memory_space<semaphore_mem>>)
    %dma_wait3A_91 = arith.constant 5120 : i32
    %dma_wait3A_92 = tpu.memref_slice %arg5[%dma_wait3A_91] : memref<25600xi32, #tpu.memory_space<vmem>> -> memref<1280xi32, #tpu.memory_space<vmem>>
    %dma_wait3A_93 = arith.constant 0 : i32
    %dma_wait3A_94 = arith.constant 0 : i32
    %dma_wait3A_95 = tpu.memref_slice %arg2[%dma_wait3A_93, %dma_wait3A_94] : memref<1000000x32xf32, #tpu.memory_space<hbm>> -> memref<1000000x32xf32, #tpu.memory_space<hbm>>
    tpu.wait_indirect_dma semaphore(%arg8 : memref<!tpu.dma_semaphore, #tpu.memory_space<semaphore_mem>>) src(%dma_wait3A_95 : memref<1000000x32xf32, #tpu.memory_space<hbm>>) dst(%arg6 : memref<1280x32xf32, #tpu.memory_space<vmem>>)
    %add3A_96 = arith.constant 5120 : i32
    %add3A_97 = arith.addi %mul3A_2, %add3A_96 : i32
    %dma_start3A_98 = arith.constant 0 : i32
    %dma_start3A_99 = tpu.memref_slice %arg4[%add3A_97, %dma_start3A_98] : memref<819200x32xf32, #tpu.memory_space<hbm>> -> memref<1280x32xf32, #tpu.memory_space<hbm>>
    %dma_start3A_100 = arith.constant 0 : i32
    %dma_start3A_101 = tpu.memref_slice %arg4[%add3A_97, %dma_start3A_100] : memref<819200x32xf32, #tpu.memory_space<hbm>> -> memref<1280x32xf32, #tpu.memory_space<hbm>>
    tpu.enqueue_dma source(%arg6 : memref<1280x32xf32, #tpu.memory_space<vmem>>) target(%dma_start3A_101 : memref<1280x32xf32, #tpu.memory_space<hbm>>) target_semaphore(%arg9 : memref<!tpu.dma_semaphore, #tpu.memory_space<semaphore_mem>>)
    %dma_wait3A_102 = arith.constant 0 : i32
    %dma_wait3A_103 = tpu.memref_slice %arg4[%add3A_97, %dma_wait3A_102] : memref<819200x32xf32, #tpu.memory_space<hbm>> -> memref<1280x32xf32, #tpu.memory_space<hbm>>
    %dma_wait3A_104 = arith.constant 0 : i32
    %dma_wait3A_105 = tpu.memref_slice %arg4[%add3A_97, %dma_wait3A_104] : memref<819200x32xf32, #tpu.memory_space<hbm>> -> memref<1280x32xf32, #tpu.memory_space<hbm>>
    tpu.wait_dma2 semaphore(%arg9 : memref<!tpu.dma_semaphore, #tpu.memory_space<semaphore_mem>>) src(%arg6 : memref<1280x32xf32, #tpu.memory_space<vmem>>) dst(%dma_wait3A_105 : memref<1280x32xf32, #tpu.memory_space<hbm>>)
    %dma_start3A_106 = arith.constant 7680 : i32
    %dma_start3A_107 = tpu.memref_slice %arg5[%dma_start3A_106] : memref<25600xi32, #tpu.memory_space<vmem>> -> memref<1280xi32, #tpu.memory_space<vmem>>
    %dma_start3A_108 = arith.constant 0 : i32
    %dma_start3A_109 = arith.constant 0 : i32
    %dma_start3A_110 = tpu.memref_slice %arg2[%dma_start3A_108, %dma_start3A_109] : memref<1000000x32xf32, #tpu.memory_space<hbm>> -> memref<1000000x32xf32, #tpu.memory_space<hbm>>
    tpu.enqueue_indirect_dma source(%dma_start3A_110 : memref<1000000x32xf32, #tpu.memory_space<hbm>>) target(%arg6 : memref<1280x32xf32, #tpu.memory_space<vmem>>) offsets(%dma_start3A_107 : memref<1280xi32, #tpu.memory_space<vmem>>) semaphore(%arg8 : memref<!tpu.dma_semaphore, #tpu.memory_space<semaphore_mem>>)
    %dma_wait3A_111 = arith.constant 6400 : i32
    %dma_wait3A_112 = tpu.memref_slice %arg5[%dma_wait3A_111] : memref<25600xi32, #tpu.memory_space<vmem>> -> memref<1280xi32, #tpu.memory_space<vmem>>
    %dma_wait3A_113 = arith.constant 0 : i32
    %dma_wait3A_114 = arith.constant 0 : i32
    %dma_wait3A_115 = tpu.memref_slice %arg2[%dma_wait3A_113, %dma_wait3A_114] : memref<1000000x32xf32, #tpu.memory_space<hbm>> -> memref<1000000x32xf32, #tpu.memory_space<hbm>>
    tpu.wait_indirect_dma semaphore(%arg8 : memref<!tpu.dma_semaphore, #tpu.memory_space<semaphore_mem>>) src(%dma_wait3A_115 : memref<1000000x32xf32, #tpu.memory_space<hbm>>) dst(%arg7 : memref<1280x32xf32, #tpu.memory_space<vmem>>)
    %add3A_116 = arith.constant 6400 : i32
    %add3A_117 = arith.addi %mul3A_2, %add3A_116 : i32
    %dma_start3A_118 = arith.constant 0 : i32
    %dma_start3A_119 = tpu.memref_slice %arg4[%add3A_117, %dma_start3A_118] : memref<819200x32xf32, #tpu.memory_space<hbm>> -> memref<1280x32xf32, #tpu.memory_space<hbm>>
    %dma_start3A_120 = arith.constant 0 : i32
    %dma_start3A_121 = tpu.memref_slice %arg4[%add3A_117, %dma_start3A_120] : memref<819200x32xf32, #tpu.memory_space<hbm>> -> memref<1280x32xf32, #tpu.memory_space<hbm>>
    tpu.enqueue_dma source(%arg7 : memref<1280x32xf32, #tpu.memory_space<vmem>>) target(%dma_start3A_121 : memref<1280x32xf32, #tpu.memory_space<hbm>>) target_semaphore(%arg9 : memref<!tpu.dma_semaphore, #tpu.memory_space<semaphore_mem>>)
    %dma_wait3A_122 = arith.constant 0 : i32
    %dma_wait3A_123 = tpu.memref_slice %arg4[%add3A_117, %dma_wait3A_122] : memref<819200x32xf32, #tpu.memory_space<hbm>> -> memref<1280x32xf32, #tpu.memory_space<hbm>>
    %dma_wait3A_124 = arith.constant 0 : i32
    %dma_wait3A_125 = tpu.memref_slice %arg4[%add3A_117, %dma_wait3A_124] : memref<819200x32xf32, #tpu.memory_space<hbm>> -> memref<1280x32xf32, #tpu.memory_space<hbm>>
    tpu.wait_dma2 semaphore(%arg9 : memref<!tpu.dma_semaphore, #tpu.memory_space<semaphore_mem>>) src(%arg7 : memref<1280x32xf32, #tpu.memory_space<vmem>>) dst(%dma_wait3A_125 : memref<1280x32xf32, #tpu.memory_space<hbm>>)
    %dma_start3A_126 = arith.constant 8960 : i32
    %dma_start3A_127 = tpu.memref_slice %arg5[%dma_start3A_126] : memref<25600xi32, #tpu.memory_space<vmem>> -> memref<1280xi32, #tpu.memory_space<vmem>>
    %dma_start3A_128 = arith.constant 0 : i32
    %dma_start3A_129 = arith.constant 0 : i32
    %dma_start3A_130 = tpu.memref_slice %arg2[%dma_start3A_128, %dma_start3A_129] : memref<1000000x32xf32, #tpu.memory_space<hbm>> -> memref<1000000x32xf32, #tpu.memory_space<hbm>>
    tpu.enqueue_indirect_dma source(%dma_start3A_130 : memref<1000000x32xf32, #tpu.memory_space<hbm>>) target(%arg7 : memref<1280x32xf32, #tpu.memory_space<vmem>>) offsets(%dma_start3A_127 : memref<1280xi32, #tpu.memory_space<vmem>>) semaphore(%arg8 : memref<!tpu.dma_semaphore, #tpu.memory_space<semaphore_mem>>)
    %dma_wait3A_131 = arith.constant 7680 : i32
    %dma_wait3A_132 = tpu.memref_slice %arg5[%dma_wait3A_131] : memref<25600xi32, #tpu.memory_space<vmem>> -> memref<1280xi32, #tpu.memory_space<vmem>>
    %dma_wait3A_133 = arith.constant 0 : i32
    %dma_wait3A_134 = arith.constant 0 : i32
    %dma_wait3A_135 = tpu.memref_slice %arg2[%dma_wait3A_133, %dma_wait3A_134] : memref<1000000x32xf32, #tpu.memory_space<hbm>> -> memref<1000000x32xf32, #tpu.memory_space<hbm>>
    tpu.wait_indirect_dma semaphore(%arg8 : memref<!tpu.dma_semaphore, #tpu.memory_space<semaphore_mem>>) src(%dma_wait3A_135 : memref<1000000x32xf32, #tpu.memory_space<hbm>>) dst(%arg6 : memref<1280x32xf32, #tpu.memory_space<vmem>>)
    %add3A_136 = arith.constant 7680 : i32
    %add3A_137 = arith.addi %mul3A_2, %add3A_136 : i32
    %dma_start3A_138 = arith.constant 0 : i32
    %dma_start3A_139 = tpu.memref_slice %arg4[%add3A_137, %dma_start3A_138] : memref<819200x32xf32, #tpu.memory_space<hbm>> -> memref<1280x32xf32, #tpu.memory_space<hbm>>
    %dma_start3A_140 = arith.constant 0 : i32
    %dma_start3A_141 = tpu.memref_slice %arg4[%add3A_137, %dma_start3A_140] : memref<819200x32xf32, #tpu.memory_space<hbm>> -> memref<1280x32xf32, #tpu.memory_space<hbm>>
    tpu.enqueue_dma source(%arg6 : memref<1280x32xf32, #tpu.memory_space<vmem>>) target(%dma_start3A_141 : memref<1280x32xf32, #tpu.memory_space<hbm>>) target_semaphore(%arg9 : memref<!tpu.dma_semaphore, #tpu.memory_space<semaphore_mem>>)
    %dma_wait3A_142 = arith.constant 0 : i32
    %dma_wait3A_143 = tpu.memref_slice %arg4[%add3A_137, %dma_wait3A_142] : memref<819200x32xf32, #tpu.memory_space<hbm>> -> memref<1280x32xf32, #tpu.memory_space<hbm>>
    %dma_wait3A_144 = arith.constant 0 : i32
    %dma_wait3A_145 = tpu.memref_slice %arg4[%add3A_137, %dma_wait3A_144] : memref<819200x32xf32, #tpu.memory_space<hbm>> -> memref<1280x32xf32, #tpu.memory_space<hbm>>
    tpu.wait_dma2 semaphore(%arg9 : memref<!tpu.dma_semaphore, #tpu.memory_space<semaphore_mem>>) src(%arg6 : memref<1280x32xf32, #tpu.memory_space<vmem>>) dst(%dma_wait3A_145 : memref<1280x32xf32, #tpu.memory_space<hbm>>)
    %dma_start3A_146 = arith.constant 10240 : i32
    %dma_start3A_147 = tpu.memref_slice %arg5[%dma_start3A_146] : memref<25600xi32, #tpu.memory_space<vmem>> -> memref<1280xi32, #tpu.memory_space<vmem>>
    %dma_start3A_148 = arith.constant 0 : i32
    %dma_start3A_149 = arith.constant 0 : i32
    %dma_start3A_150 = tpu.memref_slice %arg2[%dma_start3A_148, %dma_start3A_149] : memref<1000000x32xf32, #tpu.memory_space<hbm>> -> memref<1000000x32xf32, #tpu.memory_space<hbm>>
    tpu.enqueue_indirect_dma source(%dma_start3A_150 : memref<1000000x32xf32, #tpu.memory_space<hbm>>) target(%arg6 : memref<1280x32xf32, #tpu.memory_space<vmem>>) offsets(%dma_start3A_147 : memref<1280xi32, #tpu.memory_space<vmem>>) semaphore(%arg8 : memref<!tpu.dma_semaphore, #tpu.memory_space<semaphore_mem>>)
    %dma_wait3A_151 = arith.constant 8960 : i32
    %dma_wait3A_152 = tpu.memref_slice %arg5[%dma_wait3A_151] : memref<25600xi32, #tpu.memory_space<vmem>> -> memref<1280xi32, #tpu.memory_space<vmem>>
    %dma_wait3A_153 = arith.constant 0 : i32
    %dma_wait3A_154 = arith.constant 0 : i32
    %dma_wait3A_155 = tpu.memref_slice %arg2[%dma_wait3A_153, %dma_wait3A_154] : memref<1000000x32xf32, #tpu.memory_space<hbm>> -> memref<1000000x32xf32, #tpu.memory_space<hbm>>
    tpu.wait_indirect_dma semaphore(%arg8 : memref<!tpu.dma_semaphore, #tpu.memory_space<semaphore_mem>>) src(%dma_wait3A_155 : memref<1000000x32xf32, #tpu.memory_space<hbm>>) dst(%arg7 : memref<1280x32xf32, #tpu.memory_space<vmem>>)
    %add3A_156 = arith.constant 8960 : i32
    %add3A_157 = arith.addi %mul3A_2, %add3A_156 : i32
    %dma_start3A_158 = arith.constant 0 : i32
    %dma_start3A_159 = tpu.memref_slice %arg4[%add3A_157, %dma_start3A_158] : memref<819200x32xf32, #tpu.memory_space<hbm>> -> memref<1280x32xf32, #tpu.memory_space<hbm>>
    %dma_start3A_160 = arith.constant 0 : i32
    %dma_start3A_161 = tpu.memref_slice %arg4[%add3A_157, %dma_start3A_160] : memref<819200x32xf32, #tpu.memory_space<hbm>> -> memref<1280x32xf32, #tpu.memory_space<hbm>>
    tpu.enqueue_dma source(%arg7 : memref<1280x32xf32, #tpu.memory_space<vmem>>) target(%dma_start3A_161 : memref<1280x32xf32, #tpu.memory_space<hbm>>) target_semaphore(%arg9 : memref<!tpu.dma_semaphore, #tpu.memory_space<semaphore_mem>>)
    %dma_wait3A_162 = arith.constant 0 : i32
    %dma_wait3A_163 = tpu.memref_slice %arg4[%add3A_157, %dma_wait3A_162] : memref<819200x32xf32, #tpu.memory_space<hbm>> -> memref<1280x32xf32, #tpu.memory_space<hbm>>
    %dma_wait3A_164 = arith.constant 0 : i32
    %dma_wait3A_165 = tpu.memref_slice %arg4[%add3A_157, %dma_wait3A_164] : memref<819200x32xf32, #tpu.memory_space<hbm>> -> memref<1280x32xf32, #tpu.memory_space<hbm>>
    tpu.wait_dma2 semaphore(%arg9 : memref<!tpu.dma_semaphore, #tpu.memory_space<semaphore_mem>>) src(%arg7 : memref<1280x32xf32, #tpu.memory_space<vmem>>) dst(%dma_wait3A_165 : memref<1280x32xf32, #tpu.memory_space<hbm>>)
    %dma_start3A_166 = arith.constant 11520 : i32
    %dma_start3A_167 = tpu.memref_slice %arg5[%dma_start3A_166] : memref<25600xi32, #tpu.memory_space<vmem>> -> memref<1280xi32, #tpu.memory_space<vmem>>
    %dma_start3A_168 = arith.constant 0 : i32
    %dma_start3A_169 = arith.constant 0 : i32
    %dma_start3A_170 = tpu.memref_slice %arg2[%dma_start3A_168, %dma_start3A_169] : memref<1000000x32xf32, #tpu.memory_space<hbm>> -> memref<1000000x32xf32, #tpu.memory_space<hbm>>
    tpu.enqueue_indirect_dma source(%dma_start3A_170 : memref<1000000x32xf32, #tpu.memory_space<hbm>>) target(%arg7 : memref<1280x32xf32, #tpu.memory_space<vmem>>) offsets(%dma_start3A_167 : memref<1280xi32, #tpu.memory_space<vmem>>) semaphore(%arg8 : memref<!tpu.dma_semaphore, #tpu.memory_space<semaphore_mem>>)
    %dma_wait3A_171 = arith.constant 10240 : i32
    %dma_wait3A_172 = tpu.memref_slice %arg5[%dma_wait3A_171] : memref<25600xi32, #tpu.memory_space<vmem>> -> memref<1280xi32, #tpu.memory_space<vmem>>
    %dma_wait3A_173 = arith.constant 0 : i32
    %dma_wait3A_174 = arith.constant 0 : i32
    %dma_wait3A_175 = tpu.memref_slice %arg2[%dma_wait3A_173, %dma_wait3A_174] : memref<1000000x32xf32, #tpu.memory_space<hbm>> -> memref<1000000x32xf32, #tpu.memory_space<hbm>>
    tpu.wait_indirect_dma semaphore(%arg8 : memref<!tpu.dma_semaphore, #tpu.memory_space<semaphore_mem>>) src(%dma_wait3A_175 : memref<1000000x32xf32, #tpu.memory_space<hbm>>) dst(%arg6 : memref<1280x32xf32, #tpu.memory_space<vmem>>)
    %add3A_176 = arith.constant 10240 : i32
    %add3A_177 = arith.addi %mul3A_2, %add3A_176 : i32
    %dma_start3A_178 = arith.constant 0 : i32
    %dma_start3A_179 = tpu.memref_slice %arg4[%add3A_177, %dma_start3A_178] : memref<819200x32xf32, #tpu.memory_space<hbm>> -> memref<1280x32xf32, #tpu.memory_space<hbm>>
    %dma_start3A_180 = arith.constant 0 : i32
    %dma_start3A_181 = tpu.memref_slice %arg4[%add3A_177, %dma_start3A_180] : memref<819200x32xf32, #tpu.memory_space<hbm>> -> memref<1280x32xf32, #tpu.memory_space<hbm>>
    tpu.enqueue_dma source(%arg6 : memref<1280x32xf32, #tpu.memory_space<vmem>>) target(%dma_start3A_181 : memref<1280x32xf32, #tpu.memory_space<hbm>>) target_semaphore(%arg9 : memref<!tpu.dma_semaphore, #tpu.memory_space<semaphore_mem>>)
    %dma_wait3A_182 = arith.constant 0 : i32
    %dma_wait3A_183 = tpu.memref_slice %arg4[%add3A_177, %dma_wait3A_182] : memref<819200x32xf32, #tpu.memory_space<hbm>> -> memref<1280x32xf32, #tpu.memory_space<hbm>>
    %dma_wait3A_184 = arith.constant 0 : i32
    %dma_wait3A_185 = tpu.memref_slice %arg4[%add3A_177, %dma_wait3A_184] : memref<819200x32xf32, #tpu.memory_space<hbm>> -> memref<1280x32xf32, #tpu.memory_space<hbm>>
    tpu.wait_dma2 semaphore(%arg9 : memref<!tpu.dma_semaphore, #tpu.memory_space<semaphore_mem>>) src(%arg6 : memref<1280x32xf32, #tpu.memory_space<vmem>>) dst(%dma_wait3A_185 : memref<1280x32xf32, #tpu.memory_space<hbm>>)
    %dma_start3A_186 = arith.constant 12800 : i32
    %dma_start3A_187 = tpu.memref_slice %arg5[%dma_start3A_186] : memref<25600xi32, #tpu.memory_space<vmem>> -> memref<1280xi32, #tpu.memory_space<vmem>>
    %dma_start3A_188 = arith.constant 0 : i32
    %dma_start3A_189 = arith.constant 0 : i32
    %dma_start3A_190 = tpu.memref_slice %arg2[%dma_start3A_188, %dma_start3A_189] : memref<1000000x32xf32, #tpu.memory_space<hbm>> -> memref<1000000x32xf32, #tpu.memory_space<hbm>>
    tpu.enqueue_indirect_dma source(%dma_start3A_190 : memref<1000000x32xf32, #tpu.memory_space<hbm>>) target(%arg6 : memref<1280x32xf32, #tpu.memory_space<vmem>>) offsets(%dma_start3A_187 : memref<1280xi32, #tpu.memory_space<vmem>>) semaphore(%arg8 : memref<!tpu.dma_semaphore, #tpu.memory_space<semaphore_mem>>)
    %dma_wait3A_191 = arith.constant 11520 : i32
    %dma_wait3A_192 = tpu.memref_slice %arg5[%dma_wait3A_191] : memref<25600xi32, #tpu.memory_space<vmem>> -> memref<1280xi32, #tpu.memory_space<vmem>>
    %dma_wait3A_193 = arith.constant 0 : i32
    %dma_wait3A_194 = arith.constant 0 : i32
    %dma_wait3A_195 = tpu.memref_slice %arg2[%dma_wait3A_193, %dma_wait3A_194] : memref<1000000x32xf32, #tpu.memory_space<hbm>> -> memref<1000000x32xf32, #tpu.memory_space<hbm>>
    tpu.wait_indirect_dma semaphore(%arg8 : memref<!tpu.dma_semaphore, #tpu.memory_space<semaphore_mem>>) src(%dma_wait3A_195 : memref<1000000x32xf32, #tpu.memory_space<hbm>>) dst(%arg7 : memref<1280x32xf32, #tpu.memory_space<vmem>>)
    %add3A_196 = arith.constant 11520 : i32
    %add3A_197 = arith.addi %mul3A_2, %add3A_196 : i32
    %dma_start3A_198 = arith.constant 0 : i32
    %dma_start3A_199 = tpu.memref_slice %arg4[%add3A_197, %dma_start3A_198] : memref<819200x32xf32, #tpu.memory_space<hbm>> -> memref<1280x32xf32, #tpu.memory_space<hbm>>
    %dma_start3A_200 = arith.constant 0 : i32
    %dma_start3A_201 = tpu.memref_slice %arg4[%add3A_197, %dma_start3A_200] : memref<819200x32xf32, #tpu.memory_space<hbm>> -> memref<1280x32xf32, #tpu.memory_space<hbm>>
    tpu.enqueue_dma source(%arg7 : memref<1280x32xf32, #tpu.memory_space<vmem>>) target(%dma_start3A_201 : memref<1280x32xf32, #tpu.memory_space<hbm>>) target_semaphore(%arg9 : memref<!tpu.dma_semaphore, #tpu.memory_space<semaphore_mem>>)
    %dma_wait3A_202 = arith.constant 0 : i32
    %dma_wait3A_203 = tpu.memref_slice %arg4[%add3A_197, %dma_wait3A_202] : memref<819200x32xf32, #tpu.memory_space<hbm>> -> memref<1280x32xf32, #tpu.memory_space<hbm>>
    %dma_wait3A_204 = arith.constant 0 : i32
    %dma_wait3A_205 = tpu.memref_slice %arg4[%add3A_197, %dma_wait3A_204] : memref<819200x32xf32, #tpu.memory_space<hbm>> -> memref<1280x32xf32, #tpu.memory_space<hbm>>
    tpu.wait_dma2 semaphore(%arg9 : memref<!tpu.dma_semaphore, #tpu.memory_space<semaphore_mem>>) src(%arg7 : memref<1280x32xf32, #tpu.memory_space<vmem>>) dst(%dma_wait3A_205 : memref<1280x32xf32, #tpu.memory_space<hbm>>)
    %dma_start3A_206 = arith.constant 14080 : i32
    %dma_start3A_207 = tpu.memref_slice %arg5[%dma_start3A_206] : memref<25600xi32, #tpu.memory_space<vmem>> -> memref<1280xi32, #tpu.memory_space<vmem>>
    %dma_start3A_208 = arith.constant 0 : i32
    %dma_start3A_209 = arith.constant 0 : i32
    %dma_start3A_210 = tpu.memref_slice %arg2[%dma_start3A_208, %dma_start3A_209] : memref<1000000x32xf32, #tpu.memory_space<hbm>> -> memref<1000000x32xf32, #tpu.memory_space<hbm>>
    tpu.enqueue_indirect_dma source(%dma_start3A_210 : memref<1000000x32xf32, #tpu.memory_space<hbm>>) target(%arg7 : memref<1280x32xf32, #tpu.memory_space<vmem>>) offsets(%dma_start3A_207 : memref<1280xi32, #tpu.memory_space<vmem>>) semaphore(%arg8 : memref<!tpu.dma_semaphore, #tpu.memory_space<semaphore_mem>>)
    %dma_wait3A_211 = arith.constant 12800 : i32
    %dma_wait3A_212 = tpu.memref_slice %arg5[%dma_wait3A_211] : memref<25600xi32, #tpu.memory_space<vmem>> -> memref<1280xi32, #tpu.memory_space<vmem>>
    %dma_wait3A_213 = arith.constant 0 : i32
    %dma_wait3A_214 = arith.constant 0 : i32
    %dma_wait3A_215 = tpu.memref_slice %arg2[%dma_wait3A_213, %dma_wait3A_214] : memref<1000000x32xf32, #tpu.memory_space<hbm>> -> memref<1000000x32xf32, #tpu.memory_space<hbm>>
    tpu.wait_indirect_dma semaphore(%arg8 : memref<!tpu.dma_semaphore, #tpu.memory_space<semaphore_mem>>) src(%dma_wait3A_215 : memref<1000000x32xf32, #tpu.memory_space<hbm>>) dst(%arg6 : memref<1280x32xf32, #tpu.memory_space<vmem>>)
    %add3A_216 = arith.constant 12800 : i32
    %add3A_217 = arith.addi %mul3A_2, %add3A_216 : i32
    %dma_start3A_218 = arith.constant 0 : i32
    %dma_start3A_219 = tpu.memref_slice %arg4[%add3A_217, %dma_start3A_218] : memref<819200x32xf32, #tpu.memory_space<hbm>> -> memref<1280x32xf32, #tpu.memory_space<hbm>>
    %dma_start3A_220 = arith.constant 0 : i32
    %dma_start3A_221 = tpu.memref_slice %arg4[%add3A_217, %dma_start3A_220] : memref<819200x32xf32, #tpu.memory_space<hbm>> -> memref<1280x32xf32, #tpu.memory_space<hbm>>
    tpu.enqueue_dma source(%arg6 : memref<1280x32xf32, #tpu.memory_space<vmem>>) target(%dma_start3A_221 : memref<1280x32xf32, #tpu.memory_space<hbm>>) target_semaphore(%arg9 : memref<!tpu.dma_semaphore, #tpu.memory_space<semaphore_mem>>)
    %dma_wait3A_222 = arith.constant 0 : i32
    %dma_wait3A_223 = tpu.memref_slice %arg4[%add3A_217, %dma_wait3A_222] : memref<819200x32xf32, #tpu.memory_space<hbm>> -> memref<1280x32xf32, #tpu.memory_space<hbm>>
    %dma_wait3A_224 = arith.constant 0 : i32
    %dma_wait3A_225 = tpu.memref_slice %arg4[%add3A_217, %dma_wait3A_224] : memref<819200x32xf32, #tpu.memory_space<hbm>> -> memref<1280x32xf32, #tpu.memory_space<hbm>>
    tpu.wait_dma2 semaphore(%arg9 : memref<!tpu.dma_semaphore, #tpu.memory_space<semaphore_mem>>) src(%arg6 : memref<1280x32xf32, #tpu.memory_space<vmem>>) dst(%dma_wait3A_225 : memref<1280x32xf32, #tpu.memory_space<hbm>>)
    %dma_start3A_226 = arith.constant 15360 : i32
    %dma_start3A_227 = tpu.memref_slice %arg5[%dma_start3A_226] : memref<25600xi32, #tpu.memory_space<vmem>> -> memref<1280xi32, #tpu.memory_space<vmem>>
    %dma_start3A_228 = arith.constant 0 : i32
    %dma_start3A_229 = arith.constant 0 : i32
    %dma_start3A_230 = tpu.memref_slice %arg2[%dma_start3A_228, %dma_start3A_229] : memref<1000000x32xf32, #tpu.memory_space<hbm>> -> memref<1000000x32xf32, #tpu.memory_space<hbm>>
    tpu.enqueue_indirect_dma source(%dma_start3A_230 : memref<1000000x32xf32, #tpu.memory_space<hbm>>) target(%arg6 : memref<1280x32xf32, #tpu.memory_space<vmem>>) offsets(%dma_start3A_227 : memref<1280xi32, #tpu.memory_space<vmem>>) semaphore(%arg8 : memref<!tpu.dma_semaphore, #tpu.memory_space<semaphore_mem>>)
    %dma_wait3A_231 = arith.constant 14080 : i32
    %dma_wait3A_232 = tpu.memref_slice %arg5[%dma_wait3A_231] : memref<25600xi32, #tpu.memory_space<vmem>> -> memref<1280xi32, #tpu.memory_space<vmem>>
    %dma_wait3A_233 = arith.constant 0 : i32
    %dma_wait3A_234 = arith.constant 0 : i32
    %dma_wait3A_235 = tpu.memref_slice %arg2[%dma_wait3A_233, %dma_wait3A_234] : memref<1000000x32xf32, #tpu.memory_space<hbm>> -> memref<1000000x32xf32, #tpu.memory_space<hbm>>
    tpu.wait_indirect_dma semaphore(%arg8 : memref<!tpu.dma_semaphore, #tpu.memory_space<semaphore_mem>>) src(%dma_wait3A_235 : memref<1000000x32xf32, #tpu.memory_space<hbm>>) dst(%arg7 : memref<1280x32xf32, #tpu.memory_space<vmem>>)
    %add3A_236 = arith.constant 14080 : i32
    %add3A_237 = arith.addi %mul3A_2, %add3A_236 : i32
    %dma_start3A_238 = arith.constant 0 : i32
    %dma_start3A_239 = tpu.memref_slice %arg4[%add3A_237, %dma_start3A_238] : memref<819200x32xf32, #tpu.memory_space<hbm>> -> memref<1280x32xf32, #tpu.memory_space<hbm>>
    %dma_start3A_240 = arith.constant 0 : i32
    %dma_start3A_241 = tpu.memref_slice %arg4[%add3A_237, %dma_start3A_240] : memref<819200x32xf32, #tpu.memory_space<hbm>> -> memref<1280x32xf32, #tpu.memory_space<hbm>>
    tpu.enqueue_dma source(%arg7 : memref<1280x32xf32, #tpu.memory_space<vmem>>) target(%dma_start3A_241 : memref<1280x32xf32, #tpu.memory_space<hbm>>) target_semaphore(%arg9 : memref<!tpu.dma_semaphore, #tpu.memory_space<semaphore_mem>>)
    %dma_wait3A_242 = arith.constant 0 : i32
    %dma_wait3A_243 = tpu.memref_slice %arg4[%add3A_237, %dma_wait3A_242] : memref<819200x32xf32, #tpu.memory_space<hbm>> -> memref<1280x32xf32, #tpu.memory_space<hbm>>
    %dma_wait3A_244 = arith.constant 0 : i32
    %dma_wait3A_245 = tpu.memref_slice %arg4[%add3A_237, %dma_wait3A_244] : memref<819200x32xf32, #tpu.memory_space<hbm>> -> memref<1280x32xf32, #tpu.memory_space<hbm>>
    tpu.wait_dma2 semaphore(%arg9 : memref<!tpu.dma_semaphore, #tpu.memory_space<semaphore_mem>>) src(%arg7 : memref<1280x32xf32, #tpu.memory_space<vmem>>) dst(%dma_wait3A_245 : memref<1280x32xf32, #tpu.memory_space<hbm>>)
    %dma_start3A_246 = arith.constant 16640 : i32
    %dma_start3A_247 = tpu.memref_slice %arg5[%dma_start3A_246] : memref<25600xi32, #tpu.memory_space<vmem>> -> memref<1280xi32, #tpu.memory_space<vmem>>
    %dma_start3A_248 = arith.constant 0 : i32
    %dma_start3A_249 = arith.constant 0 : i32
    %dma_start3A_250 = tpu.memref_slice %arg2[%dma_start3A_248, %dma_start3A_249] : memref<1000000x32xf32, #tpu.memory_space<hbm>> -> memref<1000000x32xf32, #tpu.memory_space<hbm>>
    tpu.enqueue_indirect_dma source(%dma_start3A_250 : memref<1000000x32xf32, #tpu.memory_space<hbm>>) target(%arg7 : memref<1280x32xf32, #tpu.memory_space<vmem>>) offsets(%dma_start3A_247 : memref<1280xi32, #tpu.memory_space<vmem>>) semaphore(%arg8 : memref<!tpu.dma_semaphore, #tpu.memory_space<semaphore_mem>>)
    %dma_wait3A_251 = arith.constant 15360 : i32
    %dma_wait3A_252 = tpu.memref_slice %arg5[%dma_wait3A_251] : memref<25600xi32, #tpu.memory_space<vmem>> -> memref<1280xi32, #tpu.memory_space<vmem>>
    %dma_wait3A_253 = arith.constant 0 : i32
    %dma_wait3A_254 = arith.constant 0 : i32
    %dma_wait3A_255 = tpu.memref_slice %arg2[%dma_wait3A_253, %dma_wait3A_254] : memref<1000000x32xf32, #tpu.memory_space<hbm>> -> memref<1000000x32xf32, #tpu.memory_space<hbm>>
    tpu.wait_indirect_dma semaphore(%arg8 : memref<!tpu.dma_semaphore, #tpu.memory_space<semaphore_mem>>) src(%dma_wait3A_255 : memref<1000000x32xf32, #tpu.memory_space<hbm>>) dst(%arg6 : memref<1280x32xf32, #tpu.memory_space<vmem>>)
    %add3A_256 = arith.constant 15360 : i32
    %add3A_257 = arith.addi %mul3A_2, %add3A_256 : i32
    %dma_start3A_258 = arith.constant 0 : i32
    %dma_start3A_259 = tpu.memref_slice %arg4[%add3A_257, %dma_start3A_258] : memref<819200x32xf32, #tpu.memory_space<hbm>> -> memref<1280x32xf32, #tpu.memory_space<hbm>>
    %dma_start3A_260 = arith.constant 0 : i32
    %dma_start3A_261 = tpu.memref_slice %arg4[%add3A_257, %dma_start3A_260] : memref<819200x32xf32, #tpu.memory_space<hbm>> -> memref<1280x32xf32, #tpu.memory_space<hbm>>
    tpu.enqueue_dma source(%arg6 : memref<1280x32xf32, #tpu.memory_space<vmem>>) target(%dma_start3A_261 : memref<1280x32xf32, #tpu.memory_space<hbm>>) target_semaphore(%arg9 : memref<!tpu.dma_semaphore, #tpu.memory_space<semaphore_mem>>)
    %dma_wait3A_262 = arith.constant 0 : i32
    %dma_wait3A_263 = tpu.memref_slice %arg4[%add3A_257, %dma_wait3A_262] : memref<819200x32xf32, #tpu.memory_space<hbm>> -> memref<1280x32xf32, #tpu.memory_space<hbm>>
    %dma_wait3A_264 = arith.constant 0 : i32
    %dma_wait3A_265 = tpu.memref_slice %arg4[%add3A_257, %dma_wait3A_264] : memref<819200x32xf32, #tpu.memory_space<hbm>> -> memref<1280x32xf32, #tpu.memory_space<hbm>>
    tpu.wait_dma2 semaphore(%arg9 : memref<!tpu.dma_semaphore, #tpu.memory_space<semaphore_mem>>) src(%arg6 : memref<1280x32xf32, #tpu.memory_space<vmem>>) dst(%dma_wait3A_265 : memref<1280x32xf32, #tpu.memory_space<hbm>>)
    %dma_start3A_266 = arith.constant 17920 : i32
    %dma_start3A_267 = tpu.memref_slice %arg5[%dma_start3A_266] : memref<25600xi32, #tpu.memory_space<vmem>> -> memref<1280xi32, #tpu.memory_space<vmem>>
    %dma_start3A_268 = arith.constant 0 : i32
    %dma_start3A_269 = arith.constant 0 : i32
    %dma_start3A_270 = tpu.memref_slice %arg2[%dma_start3A_268, %dma_start3A_269] : memref<1000000x32xf32, #tpu.memory_space<hbm>> -> memref<1000000x32xf32, #tpu.memory_space<hbm>>
    tpu.enqueue_indirect_dma source(%dma_start3A_270 : memref<1000000x32xf32, #tpu.memory_space<hbm>>) target(%arg6 : memref<1280x32xf32, #tpu.memory_space<vmem>>) offsets(%dma_start3A_267 : memref<1280xi32, #tpu.memory_space<vmem>>) semaphore(%arg8 : memref<!tpu.dma_semaphore, #tpu.memory_space<semaphore_mem>>)
    %dma_wait3A_271 = arith.constant 16640 : i32
    %dma_wait3A_272 = tpu.memref_slice %arg5[%dma_wait3A_271] : memref<25600xi32, #tpu.memory_space<vmem>> -> memref<1280xi32, #tpu.memory_space<vmem>>
    %dma_wait3A_273 = arith.constant 0 : i32
    %dma_wait3A_274 = arith.constant 0 : i32
    %dma_wait3A_275 = tpu.memref_slice %arg2[%dma_wait3A_273, %dma_wait3A_274] : memref<1000000x32xf32, #tpu.memory_space<hbm>> -> memref<1000000x32xf32, #tpu.memory_space<hbm>>
    tpu.wait_indirect_dma semaphore(%arg8 : memref<!tpu.dma_semaphore, #tpu.memory_space<semaphore_mem>>) src(%dma_wait3A_275 : memref<1000000x32xf32, #tpu.memory_space<hbm>>) dst(%arg7 : memref<1280x32xf32, #tpu.memory_space<vmem>>)
    %add3A_276 = arith.constant 16640 : i32
    %add3A_277 = arith.addi %mul3A_2, %add3A_276 : i32
    %dma_start3A_278 = arith.constant 0 : i32
    %dma_start3A_279 = tpu.memref_slice %arg4[%add3A_277, %dma_start3A_278] : memref<819200x32xf32, #tpu.memory_space<hbm>> -> memref<1280x32xf32, #tpu.memory_space<hbm>>
    %dma_start3A_280 = arith.constant 0 : i32
    %dma_start3A_281 = tpu.memref_slice %arg4[%add3A_277, %dma_start3A_280] : memref<819200x32xf32, #tpu.memory_space<hbm>> -> memref<1280x32xf32, #tpu.memory_space<hbm>>
    tpu.enqueue_dma source(%arg7 : memref<1280x32xf32, #tpu.memory_space<vmem>>) target(%dma_start3A_281 : memref<1280x32xf32, #tpu.memory_space<hbm>>) target_semaphore(%arg9 : memref<!tpu.dma_semaphore, #tpu.memory_space<semaphore_mem>>)
    %dma_wait3A_282 = arith.constant 0 : i32
    %dma_wait3A_283 = tpu.memref_slice %arg4[%add3A_277, %dma_wait3A_282] : memref<819200x32xf32, #tpu.memory_space<hbm>> -> memref<1280x32xf32, #tpu.memory_space<hbm>>
    %dma_wait3A_284 = arith.constant 0 : i32
    %dma_wait3A_285 = tpu.memref_slice %arg4[%add3A_277, %dma_wait3A_284] : memref<819200x32xf32, #tpu.memory_space<hbm>> -> memref<1280x32xf32, #tpu.memory_space<hbm>>
    tpu.wait_dma2 semaphore(%arg9 : memref<!tpu.dma_semaphore, #tpu.memory_space<semaphore_mem>>) src(%arg7 : memref<1280x32xf32, #tpu.memory_space<vmem>>) dst(%dma_wait3A_285 : memref<1280x32xf32, #tpu.memory_space<hbm>>)
    %dma_start3A_286 = arith.constant 19200 : i32
    %dma_start3A_287 = tpu.memref_slice %arg5[%dma_start3A_286] : memref<25600xi32, #tpu.memory_space<vmem>> -> memref<1280xi32, #tpu.memory_space<vmem>>
    %dma_start3A_288 = arith.constant 0 : i32
    %dma_start3A_289 = arith.constant 0 : i32
    %dma_start3A_290 = tpu.memref_slice %arg2[%dma_start3A_288, %dma_start3A_289] : memref<1000000x32xf32, #tpu.memory_space<hbm>> -> memref<1000000x32xf32, #tpu.memory_space<hbm>>
    tpu.enqueue_indirect_dma source(%dma_start3A_290 : memref<1000000x32xf32, #tpu.memory_space<hbm>>) target(%arg7 : memref<1280x32xf32, #tpu.memory_space<vmem>>) offsets(%dma_start3A_287 : memref<1280xi32, #tpu.memory_space<vmem>>) semaphore(%arg8 : memref<!tpu.dma_semaphore, #tpu.memory_space<semaphore_mem>>)
    %dma_wait3A_291 = arith.constant 17920 : i32
    %dma_wait3A_292 = tpu.memref_slice %arg5[%dma_wait3A_291] : memref<25600xi32, #tpu.memory_space<vmem>> -> memref<1280xi32, #tpu.memory_space<vmem>>
    %dma_wait3A_293 = arith.constant 0 : i32
    %dma_wait3A_294 = arith.constant 0 : i32
    %dma_wait3A_295 = tpu.memref_slice %arg2[%dma_wait3A_293, %dma_wait3A_294] : memref<1000000x32xf32, #tpu.memory_space<hbm>> -> memref<1000000x32xf32, #tpu.memory_space<hbm>>
    tpu.wait_indirect_dma semaphore(%arg8 : memref<!tpu.dma_semaphore, #tpu.memory_space<semaphore_mem>>) src(%dma_wait3A_295 : memref<1000000x32xf32, #tpu.memory_space<hbm>>) dst(%arg6 : memref<1280x32xf32, #tpu.memory_space<vmem>>)
    %add3A_296 = arith.constant 17920 : i32
    %add3A_297 = arith.addi %mul3A_2, %add3A_296 : i32
    %dma_start3A_298 = arith.constant 0 : i32
    %dma_start3A_299 = tpu.memref_slice %arg4[%add3A_297, %dma_start3A_298] : memref<819200x32xf32, #tpu.memory_space<hbm>> -> memref<1280x32xf32, #tpu.memory_space<hbm>>
    %dma_start3A_300 = arith.constant 0 : i32
    %dma_start3A_301 = tpu.memref_slice %arg4[%add3A_297, %dma_start3A_300] : memref<819200x32xf32, #tpu.memory_space<hbm>> -> memref<1280x32xf32, #tpu.memory_space<hbm>>
    tpu.enqueue_dma source(%arg6 : memref<1280x32xf32, #tpu.memory_space<vmem>>) target(%dma_start3A_301 : memref<1280x32xf32, #tpu.memory_space<hbm>>) target_semaphore(%arg9 : memref<!tpu.dma_semaphore, #tpu.memory_space<semaphore_mem>>)
    %dma_wait3A_302 = arith.constant 0 : i32
    %dma_wait3A_303 = tpu.memref_slice %arg4[%add3A_297, %dma_wait3A_302] : memref<819200x32xf32, #tpu.memory_space<hbm>> -> memref<1280x32xf32, #tpu.memory_space<hbm>>
    %dma_wait3A_304 = arith.constant 0 : i32
    %dma_wait3A_305 = tpu.memref_slice %arg4[%add3A_297, %dma_wait3A_304] : memref<819200x32xf32, #tpu.memory_space<hbm>> -> memref<1280x32xf32, #tpu.memory_space<hbm>>
    tpu.wait_dma2 semaphore(%arg9 : memref<!tpu.dma_semaphore, #tpu.memory_space<semaphore_mem>>) src(%arg6 : memref<1280x32xf32, #tpu.memory_space<vmem>>) dst(%dma_wait3A_305 : memref<1280x32xf32, #tpu.memory_space<hbm>>)
    %dma_start3A_306 = arith.constant 20480 : i32
    %dma_start3A_307 = tpu.memref_slice %arg5[%dma_start3A_306] : memref<25600xi32, #tpu.memory_space<vmem>> -> memref<1280xi32, #tpu.memory_space<vmem>>
    %dma_start3A_308 = arith.constant 0 : i32
    %dma_start3A_309 = arith.constant 0 : i32
    %dma_start3A_310 = tpu.memref_slice %arg2[%dma_start3A_308, %dma_start3A_309] : memref<1000000x32xf32, #tpu.memory_space<hbm>> -> memref<1000000x32xf32, #tpu.memory_space<hbm>>
    tpu.enqueue_indirect_dma source(%dma_start3A_310 : memref<1000000x32xf32, #tpu.memory_space<hbm>>) target(%arg6 : memref<1280x32xf32, #tpu.memory_space<vmem>>) offsets(%dma_start3A_307 : memref<1280xi32, #tpu.memory_space<vmem>>) semaphore(%arg8 : memref<!tpu.dma_semaphore, #tpu.memory_space<semaphore_mem>>)
    %dma_wait3A_311 = arith.constant 19200 : i32
    %dma_wait3A_312 = tpu.memref_slice %arg5[%dma_wait3A_311] : memref<25600xi32, #tpu.memory_space<vmem>> -> memref<1280xi32, #tpu.memory_space<vmem>>
    %dma_wait3A_313 = arith.constant 0 : i32
    %dma_wait3A_314 = arith.constant 0 : i32
    %dma_wait3A_315 = tpu.memref_slice %arg2[%dma_wait3A_313, %dma_wait3A_314] : memref<1000000x32xf32, #tpu.memory_space<hbm>> -> memref<1000000x32xf32, #tpu.memory_space<hbm>>
    tpu.wait_indirect_dma semaphore(%arg8 : memref<!tpu.dma_semaphore, #tpu.memory_space<semaphore_mem>>) src(%dma_wait3A_315 : memref<1000000x32xf32, #tpu.memory_space<hbm>>) dst(%arg7 : memref<1280x32xf32, #tpu.memory_space<vmem>>)
    %add3A_316 = arith.constant 19200 : i32
    %add3A_317 = arith.addi %mul3A_2, %add3A_316 : i32
    %dma_start3A_318 = arith.constant 0 : i32
    %dma_start3A_319 = tpu.memref_slice %arg4[%add3A_317, %dma_start3A_318] : memref<819200x32xf32, #tpu.memory_space<hbm>> -> memref<1280x32xf32, #tpu.memory_space<hbm>>
    %dma_start3A_320 = arith.constant 0 : i32
    %dma_start3A_321 = tpu.memref_slice %arg4[%add3A_317, %dma_start3A_320] : memref<819200x32xf32, #tpu.memory_space<hbm>> -> memref<1280x32xf32, #tpu.memory_space<hbm>>
    tpu.enqueue_dma source(%arg7 : memref<1280x32xf32, #tpu.memory_space<vmem>>) target(%dma_start3A_321 : memref<1280x32xf32, #tpu.memory_space<hbm>>) target_semaphore(%arg9 : memref<!tpu.dma_semaphore, #tpu.memory_space<semaphore_mem>>)
    %dma_wait3A_322 = arith.constant 0 : i32
    %dma_wait3A_323 = tpu.memref_slice %arg4[%add3A_317, %dma_wait3A_322] : memref<819200x32xf32, #tpu.memory_space<hbm>> -> memref<1280x32xf32, #tpu.memory_space<hbm>>
    %dma_wait3A_324 = arith.constant 0 : i32
    %dma_wait3A_325 = tpu.memref_slice %arg4[%add3A_317, %dma_wait3A_324] : memref<819200x32xf32, #tpu.memory_space<hbm>> -> memref<1280x32xf32, #tpu.memory_space<hbm>>
    tpu.wait_dma2 semaphore(%arg9 : memref<!tpu.dma_semaphore, #tpu.memory_space<semaphore_mem>>) src(%arg7 : memref<1280x32xf32, #tpu.memory_space<vmem>>) dst(%dma_wait3A_325 : memref<1280x32xf32, #tpu.memory_space<hbm>>)
    %dma_start3A_326 = arith.constant 21760 : i32
    %dma_start3A_327 = tpu.memref_slice %arg5[%dma_start3A_326] : memref<25600xi32, #tpu.memory_space<vmem>> -> memref<1280xi32, #tpu.memory_space<vmem>>
    %dma_start3A_328 = arith.constant 0 : i32
    %dma_start3A_329 = arith.constant 0 : i32
    %dma_start3A_330 = tpu.memref_slice %arg2[%dma_start3A_328, %dma_start3A_329] : memref<1000000x32xf32, #tpu.memory_space<hbm>> -> memref<1000000x32xf32, #tpu.memory_space<hbm>>
    tpu.enqueue_indirect_dma source(%dma_start3A_330 : memref<1000000x32xf32, #tpu.memory_space<hbm>>) target(%arg7 : memref<1280x32xf32, #tpu.memory_space<vmem>>) offsets(%dma_start3A_327 : memref<1280xi32, #tpu.memory_space<vmem>>) semaphore(%arg8 : memref<!tpu.dma_semaphore, #tpu.memory_space<semaphore_mem>>)
    %dma_wait3A_331 = arith.constant 20480 : i32
    %dma_wait3A_332 = tpu.memref_slice %arg5[%dma_wait3A_331] : memref<25600xi32, #tpu.memory_space<vmem>> -> memref<1280xi32, #tpu.memory_space<vmem>>
    %dma_wait3A_333 = arith.constant 0 : i32
    %dma_wait3A_334 = arith.constant 0 : i32
    %dma_wait3A_335 = tpu.memref_slice %arg2[%dma_wait3A_333, %dma_wait3A_334] : memref<1000000x32xf32, #tpu.memory_space<hbm>> -> memref<1000000x32xf32, #tpu.memory_space<hbm>>
    tpu.wait_indirect_dma semaphore(%arg8 : memref<!tpu.dma_semaphore, #tpu.memory_space<semaphore_mem>>) src(%dma_wait3A_335 : memref<1000000x32xf32, #tpu.memory_space<hbm>>) dst(%arg6 : memref<1280x32xf32, #tpu.memory_space<vmem>>)
    %add3A_336 = arith.constant 20480 : i32
    %add3A_337 = arith.addi %mul3A_2, %add3A_336 : i32
    %dma_start3A_338 = arith.constant 0 : i32
    %dma_start3A_339 = tpu.memref_slice %arg4[%add3A_337, %dma_start3A_338] : memref<819200x32xf32, #tpu.memory_space<hbm>> -> memref<1280x32xf32, #tpu.memory_space<hbm>>
    %dma_start3A_340 = arith.constant 0 : i32
    %dma_start3A_341 = tpu.memref_slice %arg4[%add3A_337, %dma_start3A_340] : memref<819200x32xf32, #tpu.memory_space<hbm>> -> memref<1280x32xf32, #tpu.memory_space<hbm>>
    tpu.enqueue_dma source(%arg6 : memref<1280x32xf32, #tpu.memory_space<vmem>>) target(%dma_start3A_341 : memref<1280x32xf32, #tpu.memory_space<hbm>>) target_semaphore(%arg9 : memref<!tpu.dma_semaphore, #tpu.memory_space<semaphore_mem>>)
    %dma_wait3A_342 = arith.constant 0 : i32
    %dma_wait3A_343 = tpu.memref_slice %arg4[%add3A_337, %dma_wait3A_342] : memref<819200x32xf32, #tpu.memory_space<hbm>> -> memref<1280x32xf32, #tpu.memory_space<hbm>>
    %dma_wait3A_344 = arith.constant 0 : i32
    %dma_wait3A_345 = tpu.memref_slice %arg4[%add3A_337, %dma_wait3A_344] : memref<819200x32xf32, #tpu.memory_space<hbm>> -> memref<1280x32xf32, #tpu.memory_space<hbm>>
    tpu.wait_dma2 semaphore(%arg9 : memref<!tpu.dma_semaphore, #tpu.memory_space<semaphore_mem>>) src(%arg6 : memref<1280x32xf32, #tpu.memory_space<vmem>>) dst(%dma_wait3A_345 : memref<1280x32xf32, #tpu.memory_space<hbm>>)
    %dma_start3A_346 = arith.constant 23040 : i32
    %dma_start3A_347 = tpu.memref_slice %arg5[%dma_start3A_346] : memref<25600xi32, #tpu.memory_space<vmem>> -> memref<1280xi32, #tpu.memory_space<vmem>>
    %dma_start3A_348 = arith.constant 0 : i32
    %dma_start3A_349 = arith.constant 0 : i32
    %dma_start3A_350 = tpu.memref_slice %arg2[%dma_start3A_348, %dma_start3A_349] : memref<1000000x32xf32, #tpu.memory_space<hbm>> -> memref<1000000x32xf32, #tpu.memory_space<hbm>>
    tpu.enqueue_indirect_dma source(%dma_start3A_350 : memref<1000000x32xf32, #tpu.memory_space<hbm>>) target(%arg6 : memref<1280x32xf32, #tpu.memory_space<vmem>>) offsets(%dma_start3A_347 : memref<1280xi32, #tpu.memory_space<vmem>>) semaphore(%arg8 : memref<!tpu.dma_semaphore, #tpu.memory_space<semaphore_mem>>)
    %dma_wait3A_351 = arith.constant 21760 : i32
    %dma_wait3A_352 = tpu.memref_slice %arg5[%dma_wait3A_351] : memref<25600xi32, #tpu.memory_space<vmem>> -> memref<1280xi32, #tpu.memory_space<vmem>>
    %dma_wait3A_353 = arith.constant 0 : i32
    %dma_wait3A_354 = arith.constant 0 : i32
    %dma_wait3A_355 = tpu.memref_slice %arg2[%dma_wait3A_353, %dma_wait3A_354] : memref<1000000x32xf32, #tpu.memory_space<hbm>> -> memref<1000000x32xf32, #tpu.memory_space<hbm>>
    tpu.wait_indirect_dma semaphore(%arg8 : memref<!tpu.dma_semaphore, #tpu.memory_space<semaphore_mem>>) src(%dma_wait3A_355 : memref<1000000x32xf32, #tpu.memory_space<hbm>>) dst(%arg7 : memref<1280x32xf32, #tpu.memory_space<vmem>>)
    %add3A_356 = arith.constant 21760 : i32
    %add3A_357 = arith.addi %mul3A_2, %add3A_356 : i32
    %dma_start3A_358 = arith.constant 0 : i32
    %dma_start3A_359 = tpu.memref_slice %arg4[%add3A_357, %dma_start3A_358] : memref<819200x32xf32, #tpu.memory_space<hbm>> -> memref<1280x32xf32, #tpu.memory_space<hbm>>
    %dma_start3A_360 = arith.constant 0 : i32
    %dma_start3A_361 = tpu.memref_slice %arg4[%add3A_357, %dma_start3A_360] : memref<819200x32xf32, #tpu.memory_space<hbm>> -> memref<1280x32xf32, #tpu.memory_space<hbm>>
    tpu.enqueue_dma source(%arg7 : memref<1280x32xf32, #tpu.memory_space<vmem>>) target(%dma_start3A_361 : memref<1280x32xf32, #tpu.memory_space<hbm>>) target_semaphore(%arg9 : memref<!tpu.dma_semaphore, #tpu.memory_space<semaphore_mem>>)
    %dma_wait3A_362 = arith.constant 0 : i32
    %dma_wait3A_363 = tpu.memref_slice %arg4[%add3A_357, %dma_wait3A_362] : memref<819200x32xf32, #tpu.memory_space<hbm>> -> memref<1280x32xf32, #tpu.memory_space<hbm>>
    %dma_wait3A_364 = arith.constant 0 : i32
    %dma_wait3A_365 = tpu.memref_slice %arg4[%add3A_357, %dma_wait3A_364] : memref<819200x32xf32, #tpu.memory_space<hbm>> -> memref<1280x32xf32, #tpu.memory_space<hbm>>
    tpu.wait_dma2 semaphore(%arg9 : memref<!tpu.dma_semaphore, #tpu.memory_space<semaphore_mem>>) src(%arg7 : memref<1280x32xf32, #tpu.memory_space<vmem>>) dst(%dma_wait3A_365 : memref<1280x32xf32, #tpu.memory_space<hbm>>)
    %dma_start3A_366 = arith.constant 24320 : i32
    %dma_start3A_367 = tpu.memref_slice %arg5[%dma_start3A_366] : memref<25600xi32, #tpu.memory_space<vmem>> -> memref<1280xi32, #tpu.memory_space<vmem>>
    %dma_start3A_368 = arith.constant 0 : i32
    %dma_start3A_369 = arith.constant 0 : i32
    %dma_start3A_370 = tpu.memref_slice %arg2[%dma_start3A_368, %dma_start3A_369] : memref<1000000x32xf32, #tpu.memory_space<hbm>> -> memref<1000000x32xf32, #tpu.memory_space<hbm>>
    tpu.enqueue_indirect_dma source(%dma_start3A_370 : memref<1000000x32xf32, #tpu.memory_space<hbm>>) target(%arg7 : memref<1280x32xf32, #tpu.memory_space<vmem>>) offsets(%dma_start3A_367 : memref<1280xi32, #tpu.memory_space<vmem>>) semaphore(%arg8 : memref<!tpu.dma_semaphore, #tpu.memory_space<semaphore_mem>>)
    %dma_wait3A_371 = arith.constant 23040 : i32
    %dma_wait3A_372 = tpu.memref_slice %arg5[%dma_wait3A_371] : memref<25600xi32, #tpu.memory_space<vmem>> -> memref<1280xi32, #tpu.memory_space<vmem>>
    %dma_wait3A_373 = arith.constant 0 : i32
    %dma_wait3A_374 = arith.constant 0 : i32
    %dma_wait3A_375 = tpu.memref_slice %arg2[%dma_wait3A_373, %dma_wait3A_374] : memref<1000000x32xf32, #tpu.memory_space<hbm>> -> memref<1000000x32xf32, #tpu.memory_space<hbm>>
    tpu.wait_indirect_dma semaphore(%arg8 : memref<!tpu.dma_semaphore, #tpu.memory_space<semaphore_mem>>) src(%dma_wait3A_375 : memref<1000000x32xf32, #tpu.memory_space<hbm>>) dst(%arg6 : memref<1280x32xf32, #tpu.memory_space<vmem>>)
    %add3A_376 = arith.constant 23040 : i32
    %add3A_377 = arith.addi %mul3A_2, %add3A_376 : i32
    %dma_start3A_378 = arith.constant 0 : i32
    %dma_start3A_379 = tpu.memref_slice %arg4[%add3A_377, %dma_start3A_378] : memref<819200x32xf32, #tpu.memory_space<hbm>> -> memref<1280x32xf32, #tpu.memory_space<hbm>>
    %dma_start3A_380 = arith.constant 0 : i32
    %dma_start3A_381 = tpu.memref_slice %arg4[%add3A_377, %dma_start3A_380] : memref<819200x32xf32, #tpu.memory_space<hbm>> -> memref<1280x32xf32, #tpu.memory_space<hbm>>
    tpu.enqueue_dma source(%arg6 : memref<1280x32xf32, #tpu.memory_space<vmem>>) target(%dma_start3A_381 : memref<1280x32xf32, #tpu.memory_space<hbm>>) target_semaphore(%arg9 : memref<!tpu.dma_semaphore, #tpu.memory_space<semaphore_mem>>)
    %dma_wait3A_382 = arith.constant 24320 : i32
    %dma_wait3A_383 = tpu.memref_slice %arg5[%dma_wait3A_382] : memref<25600xi32, #tpu.memory_space<vmem>> -> memref<1280xi32, #tpu.memory_space<vmem>>
    %dma_wait3A_384 = arith.constant 0 : i32
    %dma_wait3A_385 = arith.constant 0 : i32
    %dma_wait3A_386 = tpu.memref_slice %arg2[%dma_wait3A_384, %dma_wait3A_385] : memref<1000000x32xf32, #tpu.memory_space<hbm>> -> memref<1000000x32xf32, #tpu.memory_space<hbm>>
    tpu.wait_indirect_dma semaphore(%arg8 : memref<!tpu.dma_semaphore, #tpu.memory_space<semaphore_mem>>) src(%dma_wait3A_386 : memref<1000000x32xf32, #tpu.memory_space<hbm>>) dst(%arg7 : memref<1280x32xf32, #tpu.memory_space<vmem>>)
    %add3A_387 = arith.constant 24320 : i32
    %add3A_388 = arith.addi %mul3A_2, %add3A_387 : i32
    %dma_start3A_389 = arith.constant 0 : i32
    %dma_start3A_390 = tpu.memref_slice %arg4[%add3A_388, %dma_start3A_389] : memref<819200x32xf32, #tpu.memory_space<hbm>> -> memref<1280x32xf32, #tpu.memory_space<hbm>>
    %dma_start3A_391 = arith.constant 0 : i32
    %dma_start3A_392 = tpu.memref_slice %arg4[%add3A_388, %dma_start3A_391] : memref<819200x32xf32, #tpu.memory_space<hbm>> -> memref<1280x32xf32, #tpu.memory_space<hbm>>
    tpu.enqueue_dma source(%arg7 : memref<1280x32xf32, #tpu.memory_space<vmem>>) target(%dma_start3A_392 : memref<1280x32xf32, #tpu.memory_space<hbm>>) target_semaphore(%arg9 : memref<!tpu.dma_semaphore, #tpu.memory_space<semaphore_mem>>)
    %dma_wait3A_393 = arith.constant 0 : i32
    %dma_wait3A_394 = tpu.memref_slice %arg4[%add3A_377, %dma_wait3A_393] : memref<819200x32xf32, #tpu.memory_space<hbm>> -> memref<1280x32xf32, #tpu.memory_space<hbm>>
    %dma_wait3A_395 = arith.constant 0 : i32
    %dma_wait3A_396 = tpu.memref_slice %arg4[%add3A_377, %dma_wait3A_395] : memref<819200x32xf32, #tpu.memory_space<hbm>> -> memref<1280x32xf32, #tpu.memory_space<hbm>>
    tpu.wait_dma2 semaphore(%arg9 : memref<!tpu.dma_semaphore, #tpu.memory_space<semaphore_mem>>) src(%arg6 : memref<1280x32xf32, #tpu.memory_space<vmem>>) dst(%dma_wait3A_396 : memref<1280x32xf32, #tpu.memory_space<hbm>>)
    %dma_wait3A_397 = arith.constant 0 : i32
    %dma_wait3A_398 = tpu.memref_slice %arg4[%add3A_388, %dma_wait3A_397] : memref<819200x32xf32, #tpu.memory_space<hbm>> -> memref<1280x32xf32, #tpu.memory_space<hbm>>
    %dma_wait3A_399 = arith.constant 0 : i32
    %dma_wait3A_400 = tpu.memref_slice %arg4[%add3A_388, %dma_wait3A_399] : memref<819200x32xf32, #tpu.memory_space<hbm>> -> memref<1280x32xf32, #tpu.memory_space<hbm>>
    tpu.wait_dma2 semaphore(%arg9 : memref<!tpu.dma_semaphore, #tpu.memory_space<semaphore_mem>>) src(%arg7 : memref<1280x32xf32, #tpu.memory_space<vmem>>) dst(%dma_wait3A_400 : memref<1280x32xf32, #tpu.memory_space<hbm>>)
    return
  }
}

module attributes {stable_mosaic.version = 14 : i64} {
  func.func @_table_body(%arg0: i32, %arg1: memref<2000x128xf32, #tpu.memory_space<vmem>>, %arg2: memref<128x32xf32, #tpu.memory_space<vmem>>, %arg3: memref<1x32xf32, #tpu.memory_space<vmem>>, %arg4: memref<32x128xf32, #tpu.memory_space<vmem>>, %arg5: memref<1x128xf32, #tpu.memory_space<vmem>>, %arg6: memref<2000x128xf32, #tpu.memory_space<vmem>>) attributes {dimension_semantics = [#tpu.dimension_semantics<arbitrary>], iteration_bounds = array<i64: 125>, scalar_prefetch = 0 : i64, scratch_operands = 0 : i64, tpu.core_type = #tpu.core_type<tc>, window_params = [{transform_indices = @transform_0, window_bounds = array<i64: 2000, 128>}, {pipeline_mode = #tpu.pipeline_mode<synchronous>, transform_indices = @transform_1, window_bounds = array<i64: 128, 32>}, {pipeline_mode = #tpu.pipeline_mode<synchronous>, transform_indices = @transform_2, window_bounds = array<i64: 1, 32>}, {pipeline_mode = #tpu.pipeline_mode<synchronous>, transform_indices = @transform_3, window_bounds = array<i64: 32, 128>}, {pipeline_mode = #tpu.pipeline_mode<synchronous>, transform_indices = @transform_4, window_bounds = array<i64: 1, 128>}, {transform_indices = @transform_5, window_bounds = array<i64: 2000, 128>}]} {
    %get3A = arith.constant 0 : index
    %get3A_0 = arith.constant 0 : index
    %get3A_1 = vector.load %arg1[%get3A, %get3A_0] : memref<2000x128xf32, #tpu.memory_space<vmem>>, vector<2000x128xf32>
    %get3A_2 = arith.constant 0 : index
    %get3A_3 = arith.constant 0 : index
    %get3A_4 = vector.load %arg2[%get3A_2, %get3A_3] : memref<128x32xf32, #tpu.memory_space<vmem>>, vector<128x32xf32>
    %dot_general3A = arith.constant dense<0.000000e+00> : vector<2000x32xf32>
    %dot_general3A_5 = tpu.matmul %get3A_1, %get3A_4, %dot_general3A {dimension_numbers = #tpu.dot_dimension_numbers<[1], [0], [0], [1], [0, 0, 1, 1], [], []>, transpose_lhs_hint = false} : vector<2000x128xf32>, vector<128x32xf32>, vector<2000x32xf32> -> vector<2000x32xf32>
    %get3A_6 = arith.constant 0 : index
    %get3A_7 = arith.constant 0 : index
    %get3A_8 = vector.load %arg3[%get3A_6, %get3A_7] : memref<1x32xf32, #tpu.memory_space<vmem>>, vector<1x32xf32>
    %add3A = vector.broadcast %get3A_8 : vector<1x32xf32> to vector<2000x32xf32>
    %add3A_9 = arith.addf %dot_general3A_5, %add3A : vector<2000x32xf32>
    %max3A = arith.constant 0.000000e+00 : f32
    %max3A_10 = vector.broadcast %max3A : f32 to vector<2000x32xf32>
    %max3A_11 = arith.maximumf %add3A_9, %max3A_10 : vector<2000x32xf32>
    %get3A_12 = arith.constant 0 : index
    %get3A_13 = arith.constant 0 : index
    %get3A_14 = vector.load %arg4[%get3A_12, %get3A_13] : memref<32x128xf32, #tpu.memory_space<vmem>>, vector<32x128xf32>
    %dot_general3A_15 = arith.constant dense<0.000000e+00> : vector<2000x128xf32>
    %dot_general3A_16 = tpu.matmul %max3A_11, %get3A_14, %dot_general3A_15 {dimension_numbers = #tpu.dot_dimension_numbers<[1], [0], [0], [1], [0, 0, 1, 1], [], []>, transpose_lhs_hint = false} : vector<2000x32xf32>, vector<32x128xf32>, vector<2000x128xf32> -> vector<2000x128xf32>
    %get3A_17 = arith.constant 0 : index
    %get3A_18 = arith.constant 0 : index
    %get3A_19 = vector.load %arg5[%get3A_17, %get3A_18] : memref<1x128xf32, #tpu.memory_space<vmem>>, vector<1x128xf32>
    %add3A_20 = vector.broadcast %get3A_19 : vector<1x128xf32> to vector<2000x128xf32>
    %add3A_21 = arith.addf %dot_general3A_16, %add3A_20 : vector<2000x128xf32>
    %exp3A = math.exp %add3A_21 : vector<2000x128xf32>
    %swap3A = arith.constant 0 : index
    %swap3A_22 = arith.constant 0 : index
    %swap3A_23 = vector.load %arg6[%swap3A, %swap3A_22] : memref<2000x128xf32, #tpu.memory_space<vmem>>, vector<2000x128xf32>
    tpu.vector_store %arg6[%swap3A, %swap3A_22], %exp3A {strides = array<i32>} : memref<2000x128xf32, #tpu.memory_space<vmem>>, vector<2000x128xf32>,
    return
  }
  func.func @transform_0(%arg0: i32) -> (i32, i32) {
    %c0_i32 = arith.constant 0 : i32
    %c0_i32_0 = arith.constant 0 : i32
    return %arg0, %c0_i32 : i32, i32
  }
  func.func @transform_1(%arg0: i32) -> (i32, i32) {
    %c0_i32 = arith.constant 0 : i32
    %c0_i32_0 = arith.constant 0 : i32
    %c0_i32_1 = arith.constant 0 : i32
    return %c0_i32, %c0_i32_0 : i32, i32
  }
  func.func @transform_2(%arg0: i32) -> (i32, i32) {
    %c0_i32 = arith.constant 0 : i32
    %c0_i32_0 = arith.constant 0 : i32
    %c0_i32_1 = arith.constant 0 : i32
    return %c0_i32, %c0_i32_0 : i32, i32
  }
  func.func @transform_3(%arg0: i32) -> (i32, i32) {
    %c0_i32 = arith.constant 0 : i32
    %c0_i32_0 = arith.constant 0 : i32
    %c0_i32_1 = arith.constant 0 : i32
    return %c0_i32, %c0_i32_0 : i32, i32
  }
  func.func @transform_4(%arg0: i32) -> (i32, i32) {
    %c0_i32 = arith.constant 0 : i32
    %c0_i32_0 = arith.constant 0 : i32
    %c0_i32_1 = arith.constant 0 : i32
    return %c0_i32, %c0_i32_0 : i32, i32
  }
  func.func @transform_5(%arg0: i32) -> (i32, i32) {
    %c0_i32 = arith.constant 0 : i32
    %c0_i32_0 = arith.constant 0 : i32
    return %arg0, %c0_i32 : i32, i32
  }
}

module attributes {stable_mosaic.version = 14 : i64} {
  func.func @_cd_body(%arg0: i32, %arg1: memref<25x3200xf32, #tpu.memory_space<vmem>>, %arg2: memref<3200x128xf32, #tpu.memory_space<vmem>>, %arg3: memref<3200x25xf32, #tpu.memory_space<vmem>>, %arg4: memref<128x40xf32, #tpu.memory_space<vmem>>, %arg5: memref<3200x40xf32, #tpu.memory_space<vmem>>, %arg6: memref<25x128xf32, #tpu.memory_space<vmem>>) attributes {dimension_semantics = [#tpu.dimension_semantics<arbitrary>], iteration_bounds = array<i64: 128>, scalar_prefetch = 0 : i64, scratch_operands = 1 : i64, tpu.core_type = #tpu.core_type<tc>, window_params = [{pipeline_mode = #tpu.pipeline_mode<synchronous>, transform_indices = @transform_0, window_bounds = array<i64: 25, 3200>}, {transform_indices = @transform_1, window_bounds = array<i64: 3200, 128>}, {pipeline_mode = #tpu.pipeline_mode<synchronous>, transform_indices = @transform_2, window_bounds = array<i64: 3200, 25>}, {pipeline_mode = #tpu.pipeline_mode<synchronous>, transform_indices = @transform_3, window_bounds = array<i64: 128, 40>}, {transform_indices = @transform_4, window_bounds = array<i64: 3200, 40>}]} {
    %eq3A = arith.constant 0 : i32
    %eq3A_0 = arith.cmpi eq, %arg0, %eq3A : i32
    %convert_element_type3A = arith.extui %eq3A_0 : i1 to i32
    %cond3A = arith.constant 0 : i32
    %cond3A_1 = arith.cmpi ne, %convert_element_type3A, %cond3A : i32
    scf.if %cond3A_1 {
      %broadcast_in_dim3A = arith.constant 0.000000e+00 : f32
      %broadcast_in_dim3A_10 = vector.broadcast %broadcast_in_dim3A : f32 to vector<25x128xf32>
      %swap3A = arith.constant 0 : index
      %swap3A_11 = arith.constant 0 : index
      %swap3A_12 = vector.load %arg6[%swap3A, %swap3A_11] : memref<25x128xf32, #tpu.memory_space<vmem>>, vector<25x128xf32>
      tpu.vector_store %arg6[%swap3A, %swap3A_11], %broadcast_in_dim3A_10 {strides = array<i32>} : memref<25x128xf32, #tpu.memory_space<vmem>>, vector<25x128xf32>,
    } else {
    }
    %lt3A = arith.constant 64 : i32
    %lt3A_2 = arith.cmpi slt, %arg0, %lt3A : i32
    %convert_element_type3A_3 = arith.extui %lt3A_2 : i1 to i32
    %cond3A_4 = arith.constant 0 : i32
    %cond3A_5 = arith.cmpi ne, %convert_element_type3A_3, %cond3A_4 : i32
    scf.if %cond3A_5 {
      %get3A = arith.constant 0 : index
      %get3A_10 = arith.constant 0 : index
      %get3A_11 = vector.load %arg6[%get3A, %get3A_10] : memref<25x128xf32, #tpu.memory_space<vmem>>, vector<25x128xf32>
      %get3A_12 = arith.constant 0 : index
      %get3A_13 = arith.constant 0 : index
      %get3A_14 = vector.load %arg1[%get3A_12, %get3A_13] : memref<25x3200xf32, #tpu.memory_space<vmem>>, vector<25x3200xf32>
      %get3A_15 = arith.constant 0 : index
      %get3A_16 = arith.constant 0 : index
      %get3A_17 = vector.load %arg2[%get3A_15, %get3A_16] : memref<3200x128xf32, #tpu.memory_space<vmem>>, vector<3200x128xf32>
      %dot_general3A = arith.constant dense<0.000000e+00> : vector<25x128xf32>
      %dot_general3A_18 = tpu.matmul %get3A_14, %get3A_17, %dot_general3A {dimension_numbers = #tpu.dot_dimension_numbers<[1], [0], [0], [1], [0, 0, 1, 1], [], []>, transpose_lhs_hint = false} : vector<25x3200xf32>, vector<3200x128xf32>, vector<25x128xf32> -> vector<25x128xf32>
      %add3A = arith.addf %get3A_11, %dot_general3A_18 : vector<25x128xf32>
      %swap3A = arith.constant 0 : index
      %swap3A_19 = arith.constant 0 : index
      %swap3A_20 = vector.load %arg6[%swap3A, %swap3A_19] : memref<25x128xf32, #tpu.memory_space<vmem>>, vector<25x128xf32>
      tpu.vector_store %arg6[%swap3A, %swap3A_19], %add3A {strides = array<i32>} : memref<25x128xf32, #tpu.memory_space<vmem>>, vector<25x128xf32>,
    } else {
    }
    %ge3A = arith.constant 64 : i32
    %ge3A_6 = arith.cmpi sge, %arg0, %ge3A : i32
    %convert_element_type3A_7 = arith.extui %ge3A_6 : i1 to i32
    %cond3A_8 = arith.constant 0 : i32
    %cond3A_9 = arith.cmpi ne, %convert_element_type3A_7, %cond3A_8 : i32
    scf.if %cond3A_9 {
      %get3A = arith.constant 0 : index
      %get3A_10 = arith.constant 0 : index
      %get3A_11 = vector.load %arg6[%get3A, %get3A_10] : memref<25x128xf32, #tpu.memory_space<vmem>>, vector<25x128xf32>
      %slice3A = vector.extract_strided_slice %get3A_11 {offsets = [0, 0], sizes = [25, 32], strides = [1, 1]} : vector<25x128xf32> to vector<25x32xf32>
      %slice3A_12 = vector.extract_strided_slice %get3A_11 {offsets = [0, 32], sizes = [25, 32], strides = [1, 1]} : vector<25x128xf32> to vector<25x32xf32>
      %slice3A_13 = vector.extract_strided_slice %get3A_11 {offsets = [0, 64], sizes = [25, 32], strides = [1, 1]} : vector<25x128xf32> to vector<25x32xf32>
      %slice3A_14 = vector.extract_strided_slice %get3A_11 {offsets = [0, 96], sizes = [25, 32], strides = [1, 1]} : vector<25x128xf32> to vector<25x32xf32>
      %slice3A_15 = vector.extract_strided_slice %slice3A_13 {offsets = [12, 0], sizes = [13, 32], strides = [1, 1]} : vector<25x32xf32> to vector<13x32xf32>
      %slice3A_16 = vector.extract_strided_slice %slice3A_13 {offsets = [0, 0], sizes = [12, 32], strides = [1, 1]} : vector<25x32xf32> to vector<12x32xf32>
      %concatenate3A = tpu.concatenate %slice3A_15, %slice3A_16 in 0 : vector<13x32xf32>, vector<12x32xf32> -> vector<25x32xf32>
      %slice3A_17 = vector.extract_strided_slice %slice3A_14 {offsets = [12, 0], sizes = [13, 32], strides = [1, 1]} : vector<25x32xf32> to vector<13x32xf32>
      %slice3A_18 = vector.extract_strided_slice %slice3A_14 {offsets = [0, 0], sizes = [12, 32], strides = [1, 1]} : vector<25x32xf32> to vector<12x32xf32>
      %concatenate3A_19 = tpu.concatenate %slice3A_17, %slice3A_18 in 0 : vector<13x32xf32>, vector<12x32xf32> -> vector<25x32xf32>
      %slice3A_20 = vector.extract_strided_slice %slice3A {offsets = [13, 0], sizes = [12, 32], strides = [1, 1]} : vector<25x32xf32> to vector<12x32xf32>
      %slice3A_21 = vector.extract_strided_slice %slice3A {offsets = [0, 0], sizes = [13, 32], strides = [1, 1]} : vector<25x32xf32> to vector<13x32xf32>
      %concatenate3A_22 = tpu.concatenate %slice3A_20, %slice3A_21 in 0 : vector<12x32xf32>, vector<13x32xf32> -> vector<25x32xf32>
      %slice3A_23 = vector.extract_strided_slice %slice3A_12 {offsets = [13, 0], sizes = [12, 32], strides = [1, 1]} : vector<25x32xf32> to vector<12x32xf32>
      %slice3A_24 = vector.extract_strided_slice %slice3A_12 {offsets = [0, 0], sizes = [13, 32], strides = [1, 1]} : vector<25x32xf32> to vector<13x32xf32>
      %concatenate3A_25 = tpu.concatenate %slice3A_23, %slice3A_24 in 0 : vector<12x32xf32>, vector<13x32xf32> -> vector<25x32xf32>
      %concatenate3A_26 = tpu.concatenate %concatenate3A, %concatenate3A_19, %concatenate3A_22, %concatenate3A_25 in 1 : vector<25x32xf32>, vector<25x32xf32>, vector<25x32xf32>, vector<25x32xf32> -> vector<25x128xf32>
      %add3A = arith.addf %get3A_11, %concatenate3A_26 : vector<25x128xf32>
      %get3A_27 = arith.constant 0 : index
      %get3A_28 = arith.constant 0 : index
      %get3A_29 = vector.load %arg4[%get3A_27, %get3A_28] : memref<128x40xf32, #tpu.memory_space<vmem>>, vector<128x40xf32>
      %dot_general3A = arith.constant dense<0.000000e+00> : vector<25x40xf32>
      %dot_general3A_30 = tpu.matmul %add3A, %get3A_29, %dot_general3A {dimension_numbers = #tpu.dot_dimension_numbers<[1], [0], [0], [1], [0, 0, 1, 1], [], []>, transpose_lhs_hint = false} : vector<25x128xf32>, vector<128x40xf32>, vector<25x40xf32> -> vector<25x40xf32>
      %get3A_31 = arith.constant 0 : index
      %get3A_32 = arith.constant 0 : index
      %get3A_33 = vector.load %arg3[%get3A_31, %get3A_32] : memref<3200x25xf32, #tpu.memory_space<vmem>>, vector<3200x25xf32>
      %dot_general3A_34 = arith.constant dense<0.000000e+00> : vector<3200x40xf32>
      %dot_general3A_35 = tpu.matmul %get3A_33, %dot_general3A_30, %dot_general3A_34 {dimension_numbers = #tpu.dot_dimension_numbers<[1], [0], [0], [1], [0, 0, 1, 1], [], []>, transpose_lhs_hint = false} : vector<3200x25xf32>, vector<25x40xf32>, vector<3200x40xf32> -> vector<3200x40xf32>
      %get3A_36 = arith.constant 0 : index
      %get3A_37 = arith.constant 0 : index
      %get3A_38 = vector.load %arg2[%get3A_36, %get3A_37] : memref<3200x128xf32, #tpu.memory_space<vmem>>, vector<3200x128xf32>
      %get3A_39 = arith.constant 0 : index
      %get3A_40 = arith.constant 0 : index
      %get3A_41 = vector.load %arg4[%get3A_39, %get3A_40] : memref<128x40xf32, #tpu.memory_space<vmem>>, vector<128x40xf32>
      %dot_general3A_42 = arith.constant dense<0.000000e+00> : vector<3200x40xf32>
      %dot_general3A_43 = tpu.matmul %get3A_38, %get3A_41, %dot_general3A_42 {dimension_numbers = #tpu.dot_dimension_numbers<[1], [0], [0], [1], [0, 0, 1, 1], [], []>, transpose_lhs_hint = false} : vector<3200x128xf32>, vector<128x40xf32>, vector<3200x40xf32> -> vector<3200x40xf32>
      %div3A = arith.divf %dot_general3A_43, %dot_general3A_35 : vector<3200x40xf32>
      %swap3A = arith.constant 0 : index
      %swap3A_44 = arith.constant 0 : index
      %swap3A_45 = vector.load %arg5[%swap3A, %swap3A_44] : memref<3200x40xf32, #tpu.memory_space<vmem>>, vector<3200x40xf32>
      tpu.vector_store %arg5[%swap3A, %swap3A_44], %div3A {strides = array<i32>} : memref<3200x40xf32, #tpu.memory_space<vmem>>, vector<3200x40xf32>,
    } else {
    }
    return
  }
  func.func @transform_0(%arg0: i32) -> (i32, i32) {
    %c0_i32 = arith.constant 0 : i32
    %c0_i32_0 = arith.constant 0 : i32
    %c0_i32_1 = arith.constant 0 : i32
    return %c0_i32, %c0_i32_0 : i32, i32
  }
  func.func @transform_1(%arg0: i32) -> (i32, i32) {
    %lt3A = arith.constant 64 : i32
    %lt3A_0 = arith.cmpi slt, %arg0, %lt3A : i32
    %sub3A = arith.constant 64 : i32
    %sub3A_1 = arith.subi %arg0, %sub3A : i32
    %select_n3A = arith.select %lt3A_0, %arg0, %sub3A_1 : i32
    %c0_i32 = arith.constant 0 : i32
    %c0_i32_2 = arith.constant 0 : i32
    return %select_n3A, %c0_i32 : i32, i32
  }
  func.func @transform_2(%arg0: i32) -> (i32, i32) {
    %c0_i32 = arith.constant 0 : i32
    %c0_i32_0 = arith.constant 0 : i32
    %c0_i32_1 = arith.constant 0 : i32
    return %c0_i32, %c0_i32_0 : i32, i32
  }
  func.func @transform_3(%arg0: i32) -> (i32, i32) {
    %c0_i32 = arith.constant 0 : i32
    %c0_i32_0 = arith.constant 0 : i32
    %c0_i32_1 = arith.constant 0 : i32
    return %c0_i32, %c0_i32_0 : i32, i32
  }
  func.func @transform_4(%arg0: i32) -> (i32, i32) {
    %lt3A = arith.constant 64 : i32
    %lt3A_0 = arith.cmpi slt, %arg0, %lt3A : i32
    %sub3A = arith.constant 64 : i32
    %sub3A_1 = arith.subi %arg0, %sub3A : i32
    %select_n3A = arith.select %lt3A_0, %arg0, %sub3A_1 : i32
    %c0_i32 = arith.constant 0 : i32
    %c0_i32_2 = arith.constant 0 : i32
    return %select_n3A, %c0_i32 : i32, i32
  }
}

</mosaic_0001>

<sc_bundles>
// kernel: kernel.5.cloned.1.call-start
scs
__scs_entry_jumppad:
0x0: {  	(pc) =	sbr.rel $0x88, $3  }
0x1: {  	(tag) =	ssettag $0x0;
	lr =	simm.s32 $0x1  }
0x2: {  	[smem:$0x3F9B] =	sst lr;
	_ =	strace $0xD0000000  }
0x3: {  	_ = 	snop  }
0x4: {  	_ = 	snop  }
0x5: {  	_ = 	snop  }
0x6: {  	_ = 	snop  }
0x7: {  	_ = 	snop  }
__scs_overlays_trampoline_lowered:
0x8: {  	[smem:$0x3FAA] =	sst s0  }
0x9: {  	[smem:$0x3FAB] =	sst s1  }
0xa: {  	[smem:$0x3FAC] =	sst s2  }
0xb: {  	[smem:$0x3FAD] =	sst s3  }
0xc: {  	[smem:$0x3FAE] =	sst s4  }
0xd: {  	[smem:$0x3FAF] =	sst s5  }
0xe: {  	[smem:$0x3FB0] =	sst s6  }
0xf: {  	[smem:$0x3FB1] =	sst s7  }
0x10: {  	[smem:$0x3FB2] =	sst s8  }
0x11: {  	[smem:$0x3FB3] =	sst s9;
	s0 =	simm.s32 @!p0 $0x0  }
0x12: {  	s1 =	sld [smem:$0x3F99];
	s0 =	simm.s32 @p0 $0x1  }
0x13: {  	[smem:$0x3FB4] =	sst s0;
	s0 =	simm.s32 @!p1 $0x0  }
0x14: {  	s2 =	sld [smem:$0x3F98];
	s0 =	simm.s32 @p1 $0x1  }
0x15: {  	[smem:$0x3FB5] =	sst s0;
	s0 =	simm.s32 @!p2 $0x0  }
0x16: {  	s3 =	sld [smem:$0x3FDB];
	s0 =	simm.s32 @p2 $0x1  }
0x17: {  	s4 =	simm.s32 $0x1BF5;
	[smem:$0x3FB7] =	sst s0  }
0x18: {  	s0 =	sld [smem:$0x3F9A];
	_ =	swait.ge [sflag:s4], $0x0  }
0x19: {  	s7 =	sld [smem:$0x3F9B]  }
0x1a: {  	s8 =	sadd.s32 $0xFFFFE003, lr  }
0x1b: {  	s9 =	sadd.s32 $0xFFFFFEF7, lr;
	s5 =	simm.s32 $0xFFFFFFFF;
	p2 =	slt.u32 s8, $0xFFFFF086  }
0x1c: {  	p1 =	slt.u32 s9, $0xF7A;
	s5 =	simm.s32 @!p2 $0x0  }
0x1d: {  	s5 =	simm.s32 @p1 $0x1;
	p0 =	seq.s32 s7, s2  }
0x1e: {  	s7 =	smul.u32 @!p0 $0xF7A, s2;
	p2 =	seq.s32 @!p0 s5, $0x0  }
0x1f: {  	s9 =	smul.u32 $0xF7A, s1;
	s8 =	simm.s32 @!p0 $0x1BF5;
	p2 =	por !p2, p0  }
0x20: {  	[sflag:s8] =	ssyncset.s32 @!p0 $0xFFFFF086;
	s6 =	sadd.s32 @!p0 s3, s7;
	s7 =	simm.s32 @!p0 $0x108  }
0x21: {  	s3 =	sadd.s32 s3, s9;
	s6 =	sadd.s32 @!p0 $0x88, s6;
	s7 =	simm.s32 @p2 $0x1082  }
0x22: {  	[simem:s7], [sflag:s8] =	dma.local @!p0 [hbm:s6], $0xF7A  }
0x23: {  	s9 =	sor.u32 $0xD0000000, s2;
	s6 =	simm.s32 $0x108;
	_ =	swait.ge @!p0 [sflag:s8], $0x0  }
0x24: {  	s3 =	sadd.s32 $0x88, s3;
	s6 =	simm.s32 @!p1 $0x1082;
	[sflag:s4] =	ssyncset.s32 $0xFFFFF086  }
0x25: {  	[simem:s6], [sflag:s4] =	dma.local [hbm:s3], $0xF7A  }
0x26: {  	[smem:$0x3F9B] =	sst s1;
	(tag) =	ssettag s2;
	_ =	strace s9  }
0x27: {  	s1 =	sld [smem:$0x3FAB]  }
0x28: {  	s2 =	sld [smem:$0x3FAC]  }
0x29: {  	s4 =	sld [smem:$0x3FAE]  }
0x2a: {  	p0 =	seq.s32 s5, $0x0;
	s5 =	sld [smem:$0x3FAF]  }
0x2b: {  	s6 =	sld [smem:$0x3FB0]  }
0x2c: {  	s7 =	sld [smem:$0x3FB1]  }
0x2d: {  	s3 =	simm.s32 $0x108;
	s8 =	sld [smem:$0x3FB2]  }
0x2e: {  	s3 =	simm.s32 @!p0 $0x1082;
	s9 =	sld [smem:$0x3FB3]  }
0x2f: {  	lr =	sadd.s32 s0, s3;
	s0 =	sld [smem:$0x3FAA]  }
0x30: {  	s3 =	sld [smem:$0x3FAD]  }
0x31: {  	[smem:$0x3FB6] =	sst s10  }
0x32: {  	s10 =	sld [smem:$0x3FB4];
	_ =	sdelay $0x3  }
0x33: {  	p0 =	seq.s32 s10, $0x1;
	s10 =	sld [smem:$0x3FB6];
	_ =	sdelay $0x3  }
0x34: {  	[smem:$0x3FB6] =	sst s10  }
0x35: {  	s10 =	sld [smem:$0x3FB5];
	_ =	sdelay $0x3  }
0x36: {  	p1 =	seq.s32 s10, $0x1;
	s10 =	sld [smem:$0x3FB6];
	_ =	sdelay $0x3  }
0x37: {  	[smem:$0x3FB6] =	sst s10  }
0x38: {  	s10 =	sld [smem:$0x3FB7]  }
0x39: {  	_ = 	snop;
	(pc) =	sbr.ind lr, $3  }
0x3a: {  	_ = 	snop  }
0x3b: {  	_ = 	snop  }
0x3c: {  	p2 =	seq.s32 s10, $0x1;
	s10 =	sld [smem:$0x3FB6]  }
0x3d: {  	_ =	shalt  }
0x3e: {  	_ =	shalt  }
0x3f: {  	_ =	shalt  }
0x40: {  	_ =	shalt  }
0x41: {  	_ =	shalt  }
0x42: {  	_ =	shalt  }
0x43: {  	_ =	shalt  }
0x44: {  	_ =	shalt  }
0x45: {  	_ =	shalt  }
0x46: {  	_ =	shalt  }
0x47: {  	_ =	shalt  }
0x48: {  	_ =	shalt  }
0x49: {  	_ =	shalt  }
0x4a: {  	_ =	shalt  }
0x4b: {  	_ =	shalt  }
0x4c: {  	_ =	shalt  }
0x4d: {  	_ =	shalt  }
0x4e: {  	_ =	shalt  }
0x4f: {  	_ =	shalt  }
0x50: {  	_ =	shalt  }
0x51: {  	_ =	shalt  }
0x52: {  	_ =	shalt  }
0x53: {  	_ =	shalt  }
0x54: {  	_ =	shalt  }
0x55: {  	_ =	shalt  }
0x56: {  	_ =	shalt  }
0x57: {  	_ =	shalt  }
0x58: {  	_ =	shalt  }
0x59: {  	_ =	shalt  }
0x5a: {  	_ =	shalt  }
0x5b: {  	_ =	shalt  }
0x5c: {  	_ =	shalt  }
0x5d: {  	_ =	shalt  }
0x5e: {  	_ =	shalt  }
0x5f: {  	_ =	shalt  }
0x60: {  	_ =	shalt  }
0x61: {  	_ =	shalt  }
0x62: {  	_ =	shalt  }
0x63: {  	_ =	shalt  }
0x64: {  	_ =	shalt  }
0x65: {  	_ =	shalt  }
0x66: {  	_ =	shalt  }
0x67: {  	_ =	shalt  }
0x68: {  	_ =	shalt  }
0x69: {  	_ =	shalt  }
0x6a: {  	_ =	shalt  }
0x6b: {  	_ =	shalt  }
0x6c: {  	_ =	shalt  }
0x6d: {  	_ =	shalt  }
0x6e: {  	_ =	shalt  }
0x6f: {  	_ =	shalt  }
0x70: {  	_ =	shalt  }
0x71: {  	_ =	shalt  }
0x72: {  	_ =	shalt  }
0x73: {  	_ =	shalt  }
0x74: {  	_ =	shalt  }
0x75: {  	_ =	shalt  }
0x76: {  	_ =	shalt  }
0x77: {  	_ =	shalt  }
0x78: {  	_ =	shalt  }
0x79: {  	_ =	shalt  }
0x7a: {  	_ =	shalt  }
0x7b: {  	_ =	shalt  }
0x7c: {  	_ =	shalt  }
0x7d: {  	_ =	shalt  }
0x7e: {  	_ =	shalt  }
0x7f: {  	_ =	shalt  }
0x80: {  	_ =	shalt  }
0x81: {  	_ =	shalt  }
0x82: {  	_ =	shalt  }
0x83: {  	_ =	shalt  }
0x84: {  	_ =	shalt  }
0x85: {  	_ =	shalt  }
0x86: {  	_ =	shalt  }
0x87: {  	_ =	shalt  }
.Lfunc_end0:
.L_simem_size_0:
called_computation_lowered:
.L_overlay_start_0:
0x88: {  	s2 =	sld [smem:$0x3FD9]  }
0x89: {  	s3 =	sld [smem:$0x3FFE];
	_ =	sdelay $0x1  }
0x8a: {  	s1 =	srdreg.scid  }
0x8b: {  	s0 =	sand.u32 $0x1, s1  }
0x8c: {  	s17 =	sshll.u32 s0, $0xA;
	s2 =	sadd.s32 s3, s2  }
0x8d: {  	s2 =	sadd.s32 s2, s17  }
0x8e: {  	[smem:$0x3FC2] =	sst s2  }
0x8f: {  	_ = 	snop  }
0x90: {  	s2 =	sld [smem:$0x3FD0];
	(tm) =	ssettm $0x1  }
0x91: {  	s18 =	sld [smem:$0x3FFB];
	_ =	sdelay $0x3  }
0x92: {  	_ =	strace s18  }
0x93: {  	s3 =	sld [smem:$0x3FFC];
	_ =	sdelay $0x3  }
0x94: {  	_ =	strace s3  }
0x95: {  	s3 =	sld [smem:$0x3FFD];
	_ =	sdelay $0x3  }
0x96: {  	_ =	strace s3  }
0x97: {  	_ =	strace $0x8FFFFFFF  }
0x98: {  	s19 =	sld [smem:$0x3FDB];
	_ =	sdelay $0x1  }
0x99: {  	s4 =	simm.s32 $_scs_section_size  }
0x9a: {  	s5 =	simm.s32 $_size__tile_overlayer_lowered;
	s6 =	simm.s32 $_tile_overlayer_lowered  }
0x9b: {  	s22 =	simm.s32 $0x1BFF;
	s21 =	sshll.u32 s6, $0x1;
	s3 =	sadd.s32 s4, s19  }
0x9c: {  	s7 =	simm.s32 $0x0;
	s20 =	sshll.u32 s5, $0x1;
	s5 =	sadd.s32 s21, s3  }
0x9d: {  	[timem:s7], [sflag:s22] =	dma.local [hbm:s5], s20  }
0x9e: {  	_ =	swait.ge [sflag:s22], s20  }
0x9f: {  	s4 =	ssub.s32 $0x0, s20;
	[sflag:s22] =	ssyncset.done $0x0  }
0xa0: {  	[sflag:s22] =	ssyncadd.s32 s4;
	_ =	sdelay $0x1  }
0xa1: {  	s23 =	simm.s32 $0x1B8B  }
0xa2: {  	_ =	swait.ge [sflag:s23], $0x1  }
0xa3: {  	[sflag:s23] =	ssyncset.done $0x0  }
0xa4: {  	s25 =	simm.s32 $0x1B8E;
	s24 =	sld [smem:$0x3FFE];
	[sflag:s23] =	ssyncadd.s32 $0xFFFFFFFF  }
0xa5: {  	s26 =	simm.s32 $execute0_lowered;
	[smem:$0x3FD2] =	sst s25  }
0xa6: {  	s5 =	sshll.u32 s26, $0x1;
	_ =	strace $0x80000046;
	[dreg:$0x1] =	wrdreg $0xFFFFFFFF  }
0xa7: {  	s28 =	simm.s32 $_size_execute0_lowered;
	s3 =	sadd.s32 s3, s5;
	[dreg:$0x0] =	wrdreg $0x0  }
0xa8: {  	s5 =	sshll.u32 s28, $0x1;
	[dreg:$0x2] =	wrdreg s3  }
0xa9: {  	[dreg:$0x3] =	wrdreg s5  }
0xaa: {  	[dreg:$0x4] =	wrdreg $0xC0  }
0xab: {  	_ =	task [dreg:s7], $0x5FFFF  }
0xac: {  	[dreg:$0x1] =	wrdreg $0xFFFFFFFF  }
0xad: {  	[dreg:$0x0] =	wrdreg $0x60  }
0xae: {  	[dreg:$0x2] =	wrdreg s24  }
0xaf: {  	[dreg:$0x3] =	wrdreg s2  }
0xb0: {  	[dreg:$0x4] =	wrdreg $0x9  }
0xb1: {  	_ =	task.clear_ibuf [dreg:s7], $0x5FFFF;
	_ =	strace $0x90000046  }
0xb2: {  	s29 =	simm.s32 $0x9;
	_ =	strace $0x80000048  }
0xb3: {  	_ =	swait.ge [sflag:s29], $0x1  }
0xb4: {  	[sflag:s29] =	ssyncadd.s32 $0xFFFFFFFF  }
0xb5: {  	_ =	strace $0x90000048  }
0xb6: {  	_ =	sfence  }
0xb7: {  	s30 =	sld [smem:$0x0];
	_ =	sdelay $0x2  }
0xb8: {  	s31 =	sshll.u32 s1, $0xD;
	s1 =	sshrl.u32 s1, $0x2  }
0xb9: {  	s3 =	sand.u32 $0x4000, s31;
	s1 =	sadd.s32 s1, s30  }
0xba: {  	s0 =	sor.u32 s3, s0;
	s1 =	sshll.u32 s1, $0x11  }
0xbb: {  	s0 =	sor.u32 s1, s0  }
0xbc: {  	s0 =	sadd.s32 $0x8F2B, s0  }
0xbd: {  	[sflag:s0] =	ssyncadd.remote.s32 $0x1  }
0xbe: {  	_ =	sfence.sel $0xFFFF  }
0xbf: {  	[dreg:$0x0] =	wrdreg $0xFFFFFFFF;
	(pc) =	sbr.abs _section_cstart, $3  }
0xc0: {  	[dreg:$0x1] =	wrdreg $0xFFFFFFFF  }
0xc1: {  	_ =	task.clear_ibuf [dreg:s7], $0x2FFFF;
	_ =	strace $0x9FFFFFFF  }
0xc2: {  	(tm) =	ssettm $0x7FFFFFFF  }
0xc3: {  	_ =	shalt  }
tec
execute0_lowered:
.L_overlay_start_1:
0x0: {  	(tag) =	ssettag $0x1  }
0x1: {  	s0 =	srdreg.scid;
	s2 =	stileid.u32  }
0x2: {  	s0 =	sand.u32 $0x1, s0;
	s2 =	sshll.u32 s2, $0x1  }
0x3: {  	s1 =	rddreg [dreg:$0x0];
	s4 =	sor.u32 s0, s2  }
0x4: {  	s3 =	rddreg [dreg:$0x1];
	s5 =	smul.u32 $0xC80, s4  }
0x5: {  	s2 =	simm.s32 $0x0;
	s0 =	ssub.s32 $0x2, s0;
	s6 =	smul.u32 $0xC8000, s4  }
0x6: {  	[smem:$0x7FF] =	sst s2;
	s4 =	smul.u32 $0x19000, s4;
	s24 =	sshrl.u32 s0, $0x1  }
0x7: {  	s7 =	sadd.s32 $0x3D1800, s1;
	_ =	strace $0x80000047;
	s0 =	ssub.s32 s0, s24  }
0x8: {  	s3 =	sadd.s32 s3, s5;
	s6 =	sshrl.u32 s6, $0x3;
	s8 =	sadd.s32 s7, s4  }
0x9: {  	s0 =	smax.u32 s0, $0x1;
	[dreg:$0x3] =	wrdreg s3;
	s9 =	sadd.s32 s7, s6  }
0xa: {  	[dreg:$0x4] =	wrdreg s8;
	s3 =	sadd.s32 $0xE00, s1;
	p1 =	sne.s32 s0, $0x1  }
0xb: {  	s1 =	sadd.s32 $0xFFFFFFFF, s0;
	s11 =	sadd.s32 $0x1400, s9;
	s0 =	rddreg [dreg:$0x3]  }
0xc: {  	s12 =	sadd.s32 $0x2800, s9;
	[dreg:$0x5] =	wrdreg s11  }
0xd: {  	s13 =	sadd.s32 $0x3C00, s9;
	[dreg:$0x6] =	wrdreg s12  }
0xe: {  	s14 =	sadd.s32 $0x5000, s9;
	[dreg:$0x7] =	wrdreg s13  }
0xf: {  	s31 =	simm.s32 $0x3;
	s15 =	sadd.s32 $0x6400, s9;
	[dreg:$0x8] =	wrdreg s14  }
0x10: {  	s30 =	simm.s32 $0xA00;
	s16 =	sadd.s32 $0x7800, s9;
	[dreg:$0x9] =	wrdreg s15  }
0x11: {  	s29 =	simm.s32 $0xF00;
	s17 =	sadd.s32 $0x8C00, s9;
	[dreg:$0xa] =	wrdreg s16  }
0x12: {  	s28 =	simm.s32 $0x1400;
	s18 =	sadd.s32 $0xA000, s9;
	[dreg:$0xb] =	wrdreg s17  }
0x13: {  	p0 =	por $0x0, $0x0;
	s19 =	sadd.s32 $0xB400, s9;
	[dreg:$0xc] =	wrdreg s18  }
0x14: {  	s24 =	simm.s32 $0x2300;
	s20 =	sadd.s32 $0xC800, s9;
	[dreg:$0xd] =	wrdreg s19  }
0x15: {  	s7 =	simm.s32 $0x10400;
	s21 =	sadd.s32 $0xDC00, s9;
	[dreg:$0xe] =	wrdreg s20  }
0x16: {  	s8 =	simm.s32 $0x1;
	s5 =	sadd.s32 $0xF000, s9;
	[dreg:$0xf] =	wrdreg s21  }
0x17: {  	s22 =	sadd.s32 $0x10400, s9;
	s23 =	sadd.s32 $0x11800, s9;
	[dreg:$0x10] =	wrdreg s5  }
0x18: {  	s25 =	sadd.s32 $0x12C00, s9;
	s26 =	sadd.s32 $0x14000, s9;
	[dreg:$0x11] =	wrdreg s22  }
0x19: {  	s10 =	sadd.s32 $0x15400, s9;
	s6 =	sadd.s32 $0x16800, s9;
	[dreg:$0x12] =	wrdreg s23  }
0x1a: {  	s4 =	sadd.s32 $0x17C00, s9;
	s9 =	simm.s32 $0x6400;
	[dreg:$0x13] =	wrdreg s25  }
0x1b: {  	[dreg:$0x14] =	wrdreg s26;
	s11 =	simm.s32 $0x500;
	s5 =	simm.s32 $0x2  }
.Ltmp0:
0x1c: {  	s26 =	simm.s32 $0x1900;
	s25 =	simm.s32 $0x1E00;
	(pc) =	sbr.rel @!p1 .LBB2_3-.Ltmp0, $4  }
0x1d: {  	s23 =	simm.s32 $0x2800;
	s22 =	simm.s32 $0x2D00;
	s21 =	simm.s32 $0x3200  }
0x1e: {  	s20 =	simm.s32 $0x3700;
	s19 =	simm.s32 $0x3C00;
	s18 =	simm.s32 $0x4100  }
0x1f: {  	s17 =	simm.s32 $0x4600;
	s16 =	simm.s32 $0x4B00;
	s15 =	simm.s32 $0x5000  }
0x20: {  	s14 =	simm.s32 $0x5500;
	s13 =	simm.s32 $0x5A00;
	s12 =	simm.s32 $0x5F00  }
0x21: {  	[tilespmem:s2], [sflag:$0x3] =	stream.linear.gather [hbm4b:s0+s2], $0x6400, $0x38;
	[tilespmem:$0x1A400] =	vst v63  }
0x22: {  	_ =	swait.ge [sflag:s31], $0x6400  }
0x23: {  	[sflag:s31] =	ssyncset.done $0x0  }
0x24: {  	[sflag:s31] =	ssyncadd.s32 $0xFFFF9C00  }
0x25: {  	[tilespmem:s9], [sflag:$0x1] =	stream.indirect.gather [hbm4b:s3+s11], $0x20, s2, s11, $0xb8;
	[tilespmem:$0x1A400] =	vst v63  }
0x26: {  	_ = 	snop  }
0x27: {  	[tilespmem:s7], [sflag:$0x1] =	stream.indirect.gather [hbm4b:s3+s11], $0x20, s11, s11, $0xb8;
	[tilespmem:$0x1A400] =	vst v63  }
0x28: {  	_ =	swait.ge [sflag:s8], $0xA000  }
0x29: {  	[sflag:s8] =	ssyncset.done $0x0  }
0x2a: {  	s0 =	rddreg [dreg:$0x4];
	[sflag:s8] =	ssyncadd.s32 $0xFFFF6000  }
0x2b: {  	[hbm4b:s0+s2] =	stream.linear.scatter [tilespmem:s9], [sflag:$0x2], $0xA000, $0x38;
	[tilespmem:$0x1A400] =	vst v63  }
0x2c: {  	_ =	swait.ge [sflag:s5], $0xA000  }
0x2d: {  	[sflag:s5] =	ssyncset.done $0x0  }
0x2e: {  	[sflag:s5] =	ssyncadd.s32 $0xFFFF6000  }
0x2f: {  	[tilespmem:s9], [sflag:$0x1] =	stream.indirect.gather [hbm4b:s3+s11], $0x20, s30, s11, $0xb8;
	[tilespmem:$0x1A400] =	vst v63  }
0x30: {  	_ =	swait.ge [sflag:s8], $0xA000  }
0x31: {  	[sflag:s8] =	ssyncset.done $0x0  }
0x32: {  	s0 =	rddreg [dreg:$0x5];
	[sflag:s8] =	ssyncadd.s32 $0xFFFF6000  }
0x33: {  	[hbm4b:s0+s2] =	stream.linear.scatter [tilespmem:s7], [sflag:$0x2], $0xA000, $0x38;
	[tilespmem:$0x1A400] =	vst v63  }
0x34: {  	_ =	swait.ge [sflag:s5], $0xA000  }
0x35: {  	[sflag:s5] =	ssyncset.done $0x0  }
0x36: {  	[sflag:s5] =	ssyncadd.s32 $0xFFFF6000  }
0x37: {  	[tilespmem:s7], [sflag:$0x1] =	stream.indirect.gather [hbm4b:s3+s11], $0x20, s29, s11, $0xb8;
	[tilespmem:$0x1A400] =	vst v63  }
0x38: {  	_ =	swait.ge [sflag:s8], $0xA000  }
0x39: {  	[sflag:s8] =	ssyncset.done $0x0  }
0x3a: {  	s0 =	rddreg [dreg:$0x6];
	[sflag:s8] =	ssyncadd.s32 $0xFFFF6000  }
0x3b: {  	[hbm4b:s0+s2] =	stream.linear.scatter [tilespmem:s9], [sflag:$0x2], $0xA000, $0x38;
	[tilespmem:$0x1A400] =	vst v63  }
0x3c: {  	_ =	swait.ge [sflag:s5], $0xA000  }
0x3d: {  	[sflag:s5] =	ssyncset.done $0x0  }
0x3e: {  	[sflag:s5] =	ssyncadd.s32 $0xFFFF6000  }
0x3f: {  	[tilespmem:s9], [sflag:$0x1] =	stream.indirect.gather [hbm4b:s3+s11], $0x20, s28, s11, $0xb8;
	[tilespmem:$0x1A400] =	vst v63  }
0x40: {  	_ =	swait.ge [sflag:s8], $0xA000  }
0x41: {  	[sflag:s8] =	ssyncset.done $0x0  }
0x42: {  	s0 =	rddreg [dreg:$0x7];
	[sflag:s8] =	ssyncadd.s32 $0xFFFF6000  }
0x43: {  	[hbm4b:s0+s2] =	stream.linear.scatter [tilespmem:s7], [sflag:$0x2], $0xA000, $0x38;
	[tilespmem:$0x1A400] =	vst v63  }
0x44: {  	_ =	swait.ge [sflag:s5], $0xA000  }
0x45: {  	[sflag:s5] =	ssyncset.done $0x0  }
0x46: {  	[sflag:s5] =	ssyncadd.s32 $0xFFFF6000  }
0x47: {  	[tilespmem:s7], [sflag:$0x1] =	stream.indirect.gather [hbm4b:s3+s11], $0x20, s26, s11, $0xb8;
	[tilespmem:$0x1A400] =	vst v63  }
0x48: {  	_ =	swait.ge [sflag:s8], $0xA000  }
0x49: {  	[sflag:s8] =	ssyncset.done $0x0  }
0x4a: {  	s0 =	rddreg [dreg:$0x8];
	[sflag:s8] =	ssyncadd.s32 $0xFFFF6000  }
0x4b: {  	[hbm4b:s0+s2] =	stream.linear.scatter [tilespmem:s9], [sflag:$0x2], $0xA000, $0x38;
	[tilespmem:$0x1A400] =	vst v63  }
0x4c: {  	_ =	swait.ge [sflag:s5], $0xA000  }
0x4d: {  	[sflag:s5] =	ssyncset.done $0x0  }
0x4e: {  	[sflag:s5] =	ssyncadd.s32 $0xFFFF6000  }
0x4f: {  	[tilespmem:s9], [sflag:$0x1] =	stream.indirect.gather [hbm4b:s3+s11], $0x20, s25, s11, $0xb8;
	[tilespmem:$0x1A400] =	vst v63  }
0x50: {  	_ =	swait.ge [sflag:s8], $0xA000  }
0x51: {  	[sflag:s8] =	ssyncset.done $0x0  }
0x52: {  	s0 =	rddreg [dreg:$0x9];
	[sflag:s8] =	ssyncadd.s32 $0xFFFF6000  }
0x53: {  	[hbm4b:s0+s2] =	stream.linear.scatter [tilespmem:s7], [sflag:$0x2], $0xA000, $0x38;
	[tilespmem:$0x1A400] =	vst v63  }
0x54: {  	_ =	swait.ge [sflag:s5], $0xA000  }
0x55: {  	[sflag:s5] =	ssyncset.done $0x0  }
0x56: {  	[sflag:s5] =	ssyncadd.s32 $0xFFFF6000  }
0x57: {  	[tilespmem:s7], [sflag:$0x1] =	stream.indirect.gather [hbm4b:s3+s11], $0x20, s24, s11, $0xb8;
	[tilespmem:$0x1A400] =	vst v63  }
0x58: {  	_ =	swait.ge [sflag:s8], $0xA000  }
0x59: {  	[sflag:s8] =	ssyncset.done $0x0  }
0x5a: {  	s0 =	rddreg [dreg:$0xa];
	[sflag:s8] =	ssyncadd.s32 $0xFFFF6000  }
0x5b: {  	[hbm4b:s0+s2] =	stream.linear.scatter [tilespmem:s9], [sflag:$0x2], $0xA000, $0x38;
	[tilespmem:$0x1A400] =	vst v63  }
0x5c: {  	_ =	swait.ge [sflag:s5], $0xA000  }
0x5d: {  	[sflag:s5] =	ssyncset.done $0x0  }
0x5e: {  	[sflag:s5] =	ssyncadd.s32 $0xFFFF6000  }
0x5f: {  	[tilespmem:s9], [sflag:$0x1] =	stream.indirect.gather [hbm4b:s3+s11], $0x20, s23, s11, $0xb8;
	[tilespmem:$0x1A400] =	vst v63  }
0x60: {  	_ =	swait.ge [sflag:s8], $0xA000  }
0x61: {  	[sflag:s8] =	ssyncset.done $0x0  }
0x62: {  	s0 =	rddreg [dreg:$0xb];
	[sflag:s8] =	ssyncadd.s32 $0xFFFF6000  }
0x63: {  	[hbm4b:s0+s2] =	stream.linear.scatter [tilespmem:s7], [sflag:$0x2], $0xA000, $0x38;
	[tilespmem:$0x1A400] =	vst v63  }
0x64: {  	_ =	swait.ge [sflag:s5], $0xA000  }
0x65: {  	[sflag:s5] =	ssyncset.done $0x0  }
0x66: {  	[sflag:s5] =	ssyncadd.s32 $0xFFFF6000  }
0x67: {  	[tilespmem:s7], [sflag:$0x1] =	stream.indirect.gather [hbm4b:s3+s11], $0x20, s22, s11, $0xb8;
	[tilespmem:$0x1A400] =	vst v63  }
0x68: {  	_ =	swait.ge [sflag:s8], $0xA000  }
0x69: {  	[sflag:s8] =	ssyncset.done $0x0  }
0x6a: {  	s0 =	rddreg [dreg:$0xc];
	[sflag:s8] =	ssyncadd.s32 $0xFFFF6000  }
0x6b: {  	[hbm4b:s0+s2] =	stream.linear.scatter [tilespmem:s9], [sflag:$0x2], $0xA000, $0x38;
	[tilespmem:$0x1A400] =	vst v63  }
0x6c: {  	_ =	swait.ge [sflag:s5], $0xA000  }
0x6d: {  	[sflag:s5] =	ssyncset.done $0x0  }
0x6e: {  	[sflag:s5] =	ssyncadd.s32 $0xFFFF6000  }
0x6f: {  	[tilespmem:s9], [sflag:$0x1] =	stream.indirect.gather [hbm4b:s3+s11], $0x20, s21, s11, $0xb8;
	[tilespmem:$0x1A400] =	vst v63  }
0x70: {  	_ =	swait.ge [sflag:s8], $0xA000  }
0x71: {  	[sflag:s8] =	ssyncset.done $0x0  }
0x72: {  	s0 =	rddreg [dreg:$0xd];
	[sflag:s8] =	ssyncadd.s32 $0xFFFF6000  }
0x73: {  	[hbm4b:s0+s2] =	stream.linear.scatter [tilespmem:s7], [sflag:$0x2], $0xA000, $0x38;
	[tilespmem:$0x1A400] =	vst v63  }
0x74: {  	_ =	swait.ge [sflag:s5], $0xA000  }
0x75: {  	[sflag:s5] =	ssyncset.done $0x0  }
0x76: {  	[sflag:s5] =	ssyncadd.s32 $0xFFFF6000  }
0x77: {  	[tilespmem:s7], [sflag:$0x1] =	stream.indirect.gather [hbm4b:s3+s11], $0x20, s20, s11, $0xb8;
	[tilespmem:$0x1A400] =	vst v63  }
0x78: {  	_ =	swait.ge [sflag:s8], $0xA000  }
0x79: {  	[sflag:s8] =	ssyncset.done $0x0  }
0x7a: {  	s0 =	rddreg [dreg:$0xe];
	[sflag:s8] =	ssyncadd.s32 $0xFFFF6000  }
0x7b: {  	[hbm4b:s0+s2] =	stream.linear.scatter [tilespmem:s9], [sflag:$0x2], $0xA000, $0x38;
	[tilespmem:$0x1A400] =	vst v63  }
0x7c: {  	_ =	swait.ge [sflag:s5], $0xA000  }
0x7d: {  	[sflag:s5] =	ssyncset.done $0x0  }
0x7e: {  	[sflag:s5] =	ssyncadd.s32 $0xFFFF6000  }
0x7f: {  	[tilespmem:s9], [sflag:$0x1] =	stream.indirect.gather [hbm4b:s3+s11], $0x20, s19, s11, $0xb8;
	[tilespmem:$0x1A400] =	vst v63  }
0x80: {  	_ =	swait.ge [sflag:s8], $0xA000  }
0x81: {  	[sflag:s8] =	ssyncset.done $0x0  }
0x82: {  	s0 =	rddreg [dreg:$0xf];
	[sflag:s8] =	ssyncadd.s32 $0xFFFF6000  }
0x83: {  	[hbm4b:s0+s2] =	stream.linear.scatter [tilespmem:s7], [sflag:$0x2], $0xA000, $0x38;
	[tilespmem:$0x1A400] =	vst v63  }
0x84: {  	_ =	swait.ge [sflag:s5], $0xA000  }
0x85: {  	[sflag:s5] =	ssyncset.done $0x0  }
0x86: {  	[sflag:s5] =	ssyncadd.s32 $0xFFFF6000  }
0x87: {  	[tilespmem:s7], [sflag:$0x1] =	stream.indirect.gather [hbm4b:s3+s11], $0x20, s18, s11, $0xb8;
	[tilespmem:$0x1A400] =	vst v63  }
0x88: {  	_ =	swait.ge [sflag:s8], $0xA000  }
0x89: {  	[sflag:s8] =	ssyncset.done $0x0  }
0x8a: {  	s0 =	rddreg [dreg:$0x10];
	[sflag:s8] =	ssyncadd.s32 $0xFFFF6000  }
0x8b: {  	[hbm4b:s0+s2] =	stream.linear.scatter [tilespmem:s9], [sflag:$0x2], $0xA000, $0x38;
	[tilespmem:$0x1A400] =	vst v63  }
0x8c: {  	_ =	swait.ge [sflag:s5], $0xA000  }
0x8d: {  	[sflag:s5] =	ssyncset.done $0x0  }
0x8e: {  	[sflag:s5] =	ssyncadd.s32 $0xFFFF6000  }
0x8f: {  	[tilespmem:s9], [sflag:$0x1] =	stream.indirect.gather [hbm4b:s3+s11], $0x20, s17, s11, $0xb8;
	[tilespmem:$0x1A400] =	vst v63  }
0x90: {  	_ =	swait.ge [sflag:s8], $0xA000  }
0x91: {  	[sflag:s8] =	ssyncset.done $0x0  }
0x92: {  	s0 =	rddreg [dreg:$0x11];
	[sflag:s8] =	ssyncadd.s32 $0xFFFF6000  }
0x93: {  	[hbm4b:s0+s2] =	stream.linear.scatter [tilespmem:s7], [sflag:$0x2], $0xA000, $0x38;
	[tilespmem:$0x1A400] =	vst v63  }
0x94: {  	_ =	swait.ge [sflag:s5], $0xA000  }
0x95: {  	[sflag:s5] =	ssyncset.done $0x0  }
0x96: {  	[sflag:s5] =	ssyncadd.s32 $0xFFFF6000  }
0x97: {  	[tilespmem:s7], [sflag:$0x1] =	stream.indirect.gather [hbm4b:s3+s11], $0x20, s16, s11, $0xb8;
	[tilespmem:$0x1A400] =	vst v63  }
0x98: {  	_ =	swait.ge [sflag:s8], $0xA000  }
0x99: {  	[sflag:s8] =	ssyncset.done $0x0  }
0x9a: {  	s0 =	rddreg [dreg:$0x12];
	[sflag:s8] =	ssyncadd.s32 $0xFFFF6000  }
0x9b: {  	[hbm4b:s0+s2] =	stream.linear.scatter [tilespmem:s9], [sflag:$0x2], $0xA000, $0x38;
	[tilespmem:$0x1A400] =	vst v63  }
0x9c: {  	_ =	swait.ge [sflag:s5], $0xA000  }
0x9d: {  	[sflag:s5] =	ssyncset.done $0x0  }
0x9e: {  	[sflag:s5] =	ssyncadd.s32 $0xFFFF6000  }
0x9f: {  	[tilespmem:s9], [sflag:$0x1] =	stream.indirect.gather [hbm4b:s3+s11], $0x20, s15, s11, $0xb8;
	[tilespmem:$0x1A400] =	vst v63  }
0xa0: {  	_ =	swait.ge [sflag:s8], $0xA000  }
0xa1: {  	[sflag:s8] =	ssyncset.done $0x0  }
0xa2: {  	s0 =	rddreg [dreg:$0x13];
	[sflag:s8] =	ssyncadd.s32 $0xFFFF6000  }
0xa3: {  	[hbm4b:s0+s2] =	stream.linear.scatter [tilespmem:s7], [sflag:$0x2], $0xA000, $0x38;
	[tilespmem:$0x1A400] =	vst v63  }
0xa4: {  	_ =	swait.ge [sflag:s5], $0xA000  }
0xa5: {  	[sflag:s5] =	ssyncset.done $0x0  }
0xa6: {  	[sflag:s5] =	ssyncadd.s32 $0xFFFF6000  }
0xa7: {  	[tilespmem:s7], [sflag:$0x1] =	stream.indirect.gather [hbm4b:s3+s11], $0x20, s14, s11, $0xb8;
	[tilespmem:$0x1A400] =	vst v63  }
0xa8: {  	_ =	swait.ge [sflag:s8], $0xA000  }
0xa9: {  	[sflag:s8] =	ssyncset.done $0x0  }
0xaa: {  	s0 =	rddreg [dreg:$0x14];
	[sflag:s8] =	ssyncadd.s32 $0xFFFF6000  }
0xab: {  	[hbm4b:s0+s2] =	stream.linear.scatter [tilespmem:s9], [sflag:$0x2], $0xA000, $0x38;
	[tilespmem:$0x1A400] =	vst v63  }
0xac: {  	_ =	swait.ge [sflag:s5], $0xA000  }
0xad: {  	[sflag:s5] =	ssyncset.done $0x0  }
0xae: {  	[sflag:s5] =	ssyncadd.s32 $0xFFFF6000  }
0xaf: {  	[tilespmem:s9], [sflag:$0x1] =	stream.indirect.gather [hbm4b:s3+s11], $0x20, s13, s11, $0xb8;
	[tilespmem:$0x1A400] =	vst v63  }
0xb0: {  	_ =	swait.ge [sflag:s8], $0xA000  }
0xb1: {  	[sflag:s8] =	ssyncset.done $0x0  }
0xb2: {  	[sflag:s8] =	ssyncadd.s32 $0xFFFF6000  }
0xb3: {  	[hbm4b:s10+s2] =	stream.linear.scatter [tilespmem:s7], [sflag:$0x2], $0xA000, $0x38;
	[tilespmem:$0x1A400] =	vst v63  }
0xb4: {  	_ =	swait.ge [sflag:s5], $0xA000  }
0xb5: {  	[sflag:s5] =	ssyncset.done $0x0  }
0xb6: {  	[sflag:s5] =	ssyncadd.s32 $0xFFFF6000  }
0xb7: {  	[tilespmem:s7], [sflag:$0x1] =	stream.indirect.gather [hbm4b:s3+s11], $0x20, s12, s11, $0xb8;
	[tilespmem:$0x1A400] =	vst v63  }
0xb8: {  	_ =	swait.ge [sflag:s8], $0xA000  }
0xb9: {  	[sflag:s8] =	ssyncset.done $0x0  }
0xba: {  	[sflag:s8] =	ssyncadd.s32 $0xFFFF6000  }
0xbb: {  	[hbm4b:s6+s2] =	stream.linear.scatter [tilespmem:s9], [sflag:$0x2], $0xA000, $0x38;
	[tilespmem:$0x1A400] =	vst v63  }
0xbc: {  	_ =	swait.ge [sflag:s8], $0xA000  }
0xbd: {  	[sflag:s8] =	ssyncset.done $0x0  }
0xbe: {  	p1 =	sne.s32 s1, $0x1;
	[sflag:s8] =	ssyncadd.s32 $0xFFFF6000  }
0xbf: {  	[hbm4b:s4+s2] =	stream.linear.scatter [tilespmem:s7], [sflag:$0x2], $0xA000, $0x38;
	[tilespmem:$0x1A400] =	vst v63  }
.Ltmp1:
0xc0: {  	_ =	swait.ge [sflag:s5], $0xA000;
	(pc) =	sbr.rel @!p1 .LBB2_3-.Ltmp1, $4  }
0xc1: {  	[sflag:s5] =	ssyncset.done $0x0  }
0xc2: {  	[sflag:s5] =	ssyncadd.s32 $0xFFFF6000  }
0xc3: {  	s1 =	sadd.s32 $0xFFFFFFFF, s1;
	_ =	swait.ge [sflag:s5], $0xA000  }
0xc4: {  	p0 =	por $0x1, $0x1;
	s0 =	rddreg [dreg:$0x3];
	[sflag:s5] =	ssyncset.done $0x0  }
.LBB2_2:
0xc5: {  	[sflag:s5] =	ssyncadd.s32 $0xFFFF6000  }
0xc6: {  	[tilespmem:s2], [sflag:$0x3] =	stream.linear.gather [hbm4b:s0+s2], $0x6400, $0x38;
	[tilespmem:$0x1A400] =	vst v63  }
0xc7: {  	_ =	swait.ge [sflag:s31], $0x6400  }
0xc8: {  	[sflag:s31] =	ssyncset.done $0x0  }
0xc9: {  	[sflag:s31] =	ssyncadd.s32 $0xFFFF9C00  }
0xca: {  	[tilespmem:s9], [sflag:$0x1] =	stream.indirect.gather [hbm4b:s3+s11], $0x20, s2, s11, $0xb8;
	[tilespmem:$0x1A400] =	vst v63  }
0xcb: {  	_ = 	snop  }
0xcc: {  	[tilespmem:s7], [sflag:$0x1] =	stream.indirect.gather [hbm4b:s3+s11], $0x20, s11, s11, $0xb8;
	[tilespmem:$0x1A400] =	vst v63  }
0xcd: {  	_ =	swait.ge [sflag:s8], $0xA000  }
0xce: {  	[sflag:s8] =	ssyncset.done $0x0  }
0xcf: {  	s0 =	rddreg [dreg:$0x4];
	[sflag:s8] =	ssyncadd.s32 $0xFFFF6000  }
0xd0: {  	[hbm4b:s0+s2] =	stream.linear.scatter [tilespmem:s9], [sflag:$0x2], $0xA000, $0x38;
	[tilespmem:$0x1A400] =	vst v63  }
0xd1: {  	_ =	swait.ge [sflag:s5], $0xA000  }
0xd2: {  	[sflag:s5] =	ssyncset.done $0x0  }
0xd3: {  	[sflag:s5] =	ssyncadd.s32 $0xFFFF6000  }
0xd4: {  	[tilespmem:s9], [sflag:$0x1] =	stream.indirect.gather [hbm4b:s3+s11], $0x20, s30, s11, $0xb8;
	[tilespmem:$0x1A400] =	vst v63  }
0xd5: {  	_ =	swait.ge [sflag:s8], $0xA000  }
0xd6: {  	[sflag:s8] =	ssyncset.done $0x0  }
0xd7: {  	s0 =	rddreg [dreg:$0x5];
	[sflag:s8] =	ssyncadd.s32 $0xFFFF6000  }
0xd8: {  	[hbm4b:s0+s2] =	stream.linear.scatter [tilespmem:s7], [sflag:$0x2], $0xA000, $0x38;
	[tilespmem:$0x1A400] =	vst v63  }
0xd9: {  	_ =	swait.ge [sflag:s5], $0xA000  }
0xda: {  	[sflag:s5] =	ssyncset.done $0x0  }
0xdb: {  	[sflag:s5] =	ssyncadd.s32 $0xFFFF6000  }
0xdc: {  	[tilespmem:s7], [sflag:$0x1] =	stream.indirect.gather [hbm4b:s3+s11], $0x20, s29, s11, $0xb8;
	[tilespmem:$0x1A400] =	vst v63  }
0xdd: {  	_ =	swait.ge [sflag:s8], $0xA000  }
0xde: {  	[sflag:s8] =	ssyncset.done $0x0  }
0xdf: {  	s0 =	rddreg [dreg:$0x6];
	[sflag:s8] =	ssyncadd.s32 $0xFFFF6000  }
0xe0: {  	[hbm4b:s0+s2] =	stream.linear.scatter [tilespmem:s9], [sflag:$0x2], $0xA000, $0x38;
	[tilespmem:$0x1A400] =	vst v63  }
0xe1: {  	_ =	swait.ge [sflag:s5], $0xA000  }
0xe2: {  	[sflag:s5] =	ssyncset.done $0x0  }
0xe3: {  	[sflag:s5] =	ssyncadd.s32 $0xFFFF6000  }
0xe4: {  	[tilespmem:s9], [sflag:$0x1] =	stream.indirect.gather [hbm4b:s3+s11], $0x20, s28, s11, $0xb8;
	[tilespmem:$0x1A400] =	vst v63  }
0xe5: {  	_ =	swait.ge [sflag:s8], $0xA000  }
0xe6: {  	[sflag:s8] =	ssyncset.done $0x0  }
0xe7: {  	s0 =	rddreg [dreg:$0x7];
	[sflag:s8] =	ssyncadd.s32 $0xFFFF6000  }
0xe8: {  	[hbm4b:s0+s2] =	stream.linear.scatter [tilespmem:s7], [sflag:$0x2], $0xA000, $0x38;
	[tilespmem:$0x1A400] =	vst v63  }
0xe9: {  	_ =	swait.ge [sflag:s5], $0xA000  }
0xea: {  	[sflag:s5] =	ssyncset.done $0x0  }
0xeb: {  	[sflag:s5] =	ssyncadd.s32 $0xFFFF6000  }
0xec: {  	[tilespmem:s7], [sflag:$0x1] =	stream.indirect.gather [hbm4b:s3+s11], $0x20, s26, s11, $0xb8;
	[tilespmem:$0x1A400] =	vst v63  }
0xed: {  	_ =	swait.ge [sflag:s8], $0xA000  }
0xee: {  	[sflag:s8] =	ssyncset.done $0x0  }
0xef: {  	s0 =	rddreg [dreg:$0x8];
	[sflag:s8] =	ssyncadd.s32 $0xFFFF6000  }
0xf0: {  	[hbm4b:s0+s2] =	stream.linear.scatter [tilespmem:s9], [sflag:$0x2], $0xA000, $0x38;
	[tilespmem:$0x1A400] =	vst v63  }
0xf1: {  	_ =	swait.ge [sflag:s5], $0xA000  }
0xf2: {  	[sflag:s5] =	ssyncset.done $0x0  }
0xf3: {  	[sflag:s5] =	ssyncadd.s32 $0xFFFF6000  }
0xf4: {  	[tilespmem:s9], [sflag:$0x1] =	stream.indirect.gather [hbm4b:s3+s11], $0x20, s25, s11, $0xb8;
	[tilespmem:$0x1A400] =	vst v63  }
0xf5: {  	_ =	swait.ge [sflag:s8], $0xA000  }
0xf6: {  	[sflag:s8] =	ssyncset.done $0x0  }
0xf7: {  	s0 =	rddreg [dreg:$0x9];
	[sflag:s8] =	ssyncadd.s32 $0xFFFF6000  }
0xf8: {  	[hbm4b:s0+s2] =	stream.linear.scatter [tilespmem:s7], [sflag:$0x2], $0xA000, $0x38;
	[tilespmem:$0x1A400] =	vst v63  }
0xf9: {  	_ =	swait.ge [sflag:s5], $0xA000  }
0xfa: {  	[sflag:s5] =	ssyncset.done $0x0  }
0xfb: {  	[sflag:s5] =	ssyncadd.s32 $0xFFFF6000  }
0xfc: {  	[tilespmem:s7], [sflag:$0x1] =	stream.indirect.gather [hbm4b:s3+s11], $0x20, s24, s11, $0xb8;
	[tilespmem:$0x1A400] =	vst v63  }
0xfd: {  	_ =	swait.ge [sflag:s8], $0xA000  }
0xfe: {  	[sflag:s8] =	ssyncset.done $0x0  }
0xff: {  	s0 =	rddreg [dreg:$0xa];
	[sflag:s8] =	ssyncadd.s32 $0xFFFF6000  }
0x100: {  	[hbm4b:s0+s2] =	stream.linear.scatter [tilespmem:s9], [sflag:$0x2], $0xA000, $0x38;
	[tilespmem:$0x1A400] =	vst v63  }
0x101: {  	_ =	swait.ge [sflag:s5], $0xA000  }
0x102: {  	[sflag:s5] =	ssyncset.done $0x0  }
0x103: {  	[sflag:s5] =	ssyncadd.s32 $0xFFFF6000  }
0x104: {  	[tilespmem:s9], [sflag:$0x1] =	stream.indirect.gather [hbm4b:s3+s11], $0x20, s23, s11, $0xb8;
	[tilespmem:$0x1A400] =	vst v63  }
0x105: {  	_ =	swait.ge [sflag:s8], $0xA000  }
0x106: {  	[sflag:s8] =	ssyncset.done $0x0  }
0x107: {  	s0 =	rddreg [dreg:$0xb];
	[sflag:s8] =	ssyncadd.s32 $0xFFFF6000  }
0x108: {  	[hbm4b:s0+s2] =	stream.linear.scatter [tilespmem:s7], [sflag:$0x2], $0xA000, $0x38;
	[tilespmem:$0x1A400] =	vst v63  }
0x109: {  	_ =	swait.ge [sflag:s5], $0xA000  }
0x10a: {  	[sflag:s5] =	ssyncset.done $0x0  }
0x10b: {  	[sflag:s5] =	ssyncadd.s32 $0xFFFF6000  }
0x10c: {  	[tilespmem:s7], [sflag:$0x1] =	stream.indirect.gather [hbm4b:s3+s11], $0x20, s22, s11, $0xb8;
	[tilespmem:$0x1A400] =	vst v63  }
0x10d: {  	_ =	swait.ge [sflag:s8], $0xA000  }
0x10e: {  	[sflag:s8] =	ssyncset.done $0x0  }
0x10f: {  	s0 =	rddreg [dreg:$0xc];
	[sflag:s8] =	ssyncadd.s32 $0xFFFF6000  }
0x110: {  	[hbm4b:s0+s2] =	stream.linear.scatter [tilespmem:s9], [sflag:$0x2], $0xA000, $0x38;
	[tilespmem:$0x1A400] =	vst v63  }
0x111: {  	_ =	swait.ge [sflag:s5], $0xA000  }
0x112: {  	[sflag:s5] =	ssyncset.done $0x0  }
0x113: {  	[sflag:s5] =	ssyncadd.s32 $0xFFFF6000  }
0x114: {  	[tilespmem:s9], [sflag:$0x1] =	stream.indirect.gather [hbm4b:s3+s11], $0x20, s21, s11, $0xb8;
	[tilespmem:$0x1A400] =	vst v63  }
0x115: {  	_ =	swait.ge [sflag:s8], $0xA000  }
0x116: {  	[sflag:s8] =	ssyncset.done $0x0  }
0x117: {  	s0 =	rddreg [dreg:$0xd];
	[sflag:s8] =	ssyncadd.s32 $0xFFFF6000  }
0x118: {  	[hbm4b:s0+s2] =	stream.linear.scatter [tilespmem:s7], [sflag:$0x2], $0xA000, $0x38;
	[tilespmem:$0x1A400] =	vst v63  }
0x119: {  	_ =	swait.ge [sflag:s5], $0xA000  }
0x11a: {  	[sflag:s5] =	ssyncset.done $0x0  }
0x11b: {  	[sflag:s5] =	ssyncadd.s32 $0xFFFF6000  }
0x11c: {  	[tilespmem:s7], [sflag:$0x1] =	stream.indirect.gather [hbm4b:s3+s11], $0x20, s20, s11, $0xb8;
	[tilespmem:$0x1A400] =	vst v63  }
0x11d: {  	_ =	swait.ge [sflag:s8], $0xA000  }
0x11e: {  	[sflag:s8] =	ssyncset.done $0x0  }
0x11f: {  	s0 =	rddreg [dreg:$0xe];
	[sflag:s8] =	ssyncadd.s32 $0xFFFF6000  }
0x120: {  	[hbm4b:s0+s2] =	stream.linear.scatter [tilespmem:s9], [sflag:$0x2], $0xA000, $0x38;
	[tilespmem:$0x1A400] =	vst v63  }
0x121: {  	_ =	swait.ge [sflag:s5], $0xA000  }
0x122: {  	[sflag:s5] =	ssyncset.done $0x0  }
0x123: {  	[sflag:s5] =	ssyncadd.s32 $0xFFFF6000  }
0x124: {  	[tilespmem:s9], [sflag:$0x1] =	stream.indirect.gather [hbm4b:s3+s11], $0x20, s19, s11, $0xb8;
	[tilespmem:$0x1A400] =	vst v63  }
0x125: {  	_ =	swait.ge [sflag:s8], $0xA000  }
0x126: {  	[sflag:s8] =	ssyncset.done $0x0  }
0x127: {  	s0 =	rddreg [dreg:$0xf];
	[sflag:s8] =	ssyncadd.s32 $0xFFFF6000  }
0x128: {  	[hbm4b:s0+s2] =	stream.linear.scatter [tilespmem:s7], [sflag:$0x2], $0xA000, $0x38;
	[tilespmem:$0x1A400] =	vst v63  }
0x129: {  	_ =	swait.ge [sflag:s5], $0xA000  }
0x12a: {  	[sflag:s5] =	ssyncset.done $0x0  }
0x12b: {  	[sflag:s5] =	ssyncadd.s32 $0xFFFF6000  }
0x12c: {  	[tilespmem:s7], [sflag:$0x1] =	stream.indirect.gather [hbm4b:s3+s11], $0x20, s18, s11, $0xb8;
	[tilespmem:$0x1A400] =	vst v63  }
0x12d: {  	_ =	swait.ge [sflag:s8], $0xA000  }
0x12e: {  	[sflag:s8] =	ssyncset.done $0x0  }
0x12f: {  	s0 =	rddreg [dreg:$0x10];
	[sflag:s8] =	ssyncadd.s32 $0xFFFF6000  }
0x130: {  	[hbm4b:s0+s2] =	stream.linear.scatter [tilespmem:s9], [sflag:$0x2], $0xA000, $0x38;
	[tilespmem:$0x1A400] =	vst v63  }
0x131: {  	_ =	swait.ge [sflag:s5], $0xA000  }
0x132: {  	[sflag:s5] =	ssyncset.done $0x0  }
0x133: {  	[sflag:s5] =	ssyncadd.s32 $0xFFFF6000  }
0x134: {  	[tilespmem:s9], [sflag:$0x1] =	stream.indirect.gather [hbm4b:s3+s11], $0x20, s17, s11, $0xb8;
	[tilespmem:$0x1A400] =	vst v63  }
0x135: {  	_ =	swait.ge [sflag:s8], $0xA000  }
0x136: {  	[sflag:s8] =	ssyncset.done $0x0  }
0x137: {  	s0 =	rddreg [dreg:$0x11];
	[sflag:s8] =	ssyncadd.s32 $0xFFFF6000  }
0x138: {  	[hbm4b:s0+s2] =	stream.linear.scatter [tilespmem:s7], [sflag:$0x2], $0xA000, $0x38;
	[tilespmem:$0x1A400] =	vst v63  }
0x139: {  	_ =	swait.ge [sflag:s5], $0xA000  }
0x13a: {  	[sflag:s5] =	ssyncset.done $0x0  }
0x13b: {  	[sflag:s5] =	ssyncadd.s32 $0xFFFF6000  }
0x13c: {  	[tilespmem:s7], [sflag:$0x1] =	stream.indirect.gather [hbm4b:s3+s11], $0x20, s16, s11, $0xb8;
	[tilespmem:$0x1A400] =	vst v63  }
0x13d: {  	_ =	swait.ge [sflag:s8], $0xA000  }
0x13e: {  	[sflag:s8] =	ssyncset.done $0x0  }
0x13f: {  	s0 =	rddreg [dreg:$0x12];
	[sflag:s8] =	ssyncadd.s32 $0xFFFF6000  }
0x140: {  	[hbm4b:s0+s2] =	stream.linear.scatter [tilespmem:s9], [sflag:$0x2], $0xA000, $0x38;
	[tilespmem:$0x1A400] =	vst v63  }
0x141: {  	_ =	swait.ge [sflag:s5], $0xA000  }
0x142: {  	[sflag:s5] =	ssyncset.done $0x0  }
0x143: {  	[sflag:s5] =	ssyncadd.s32 $0xFFFF6000  }
0x144: {  	[tilespmem:s9], [sflag:$0x1] =	stream.indirect.gather [hbm4b:s3+s11], $0x20, s15, s11, $0xb8;
	[tilespmem:$0x1A400] =	vst v63  }
0x145: {  	_ =	swait.ge [sflag:s8], $0xA000  }
0x146: {  	[sflag:s8] =	ssyncset.done $0x0  }
0x147: {  	s0 =	rddreg [dreg:$0x13];
	[sflag:s8] =	ssyncadd.s32 $0xFFFF6000  }
0x148: {  	[hbm4b:s0+s2] =	stream.linear.scatter [tilespmem:s7], [sflag:$0x2], $0xA000, $0x38;
	[tilespmem:$0x1A400] =	vst v63  }
0x149: {  	_ =	swait.ge [sflag:s5], $0xA000  }
0x14a: {  	[sflag:s5] =	ssyncset.done $0x0  }
0x14b: {  	[sflag:s5] =	ssyncadd.s32 $0xFFFF6000  }
0x14c: {  	[tilespmem:s7], [sflag:$0x1] =	stream.indirect.gather [hbm4b:s3+s11], $0x20, s14, s11, $0xb8;
	[tilespmem:$0x1A400] =	vst v63  }
0x14d: {  	_ =	swait.ge [sflag:s8], $0xA000  }
0x14e: {  	[sflag:s8] =	ssyncset.done $0x0  }
0x14f: {  	s0 =	rddreg [dreg:$0x14];
	[sflag:s8] =	ssyncadd.s32 $0xFFFF6000  }
0x150: {  	[hbm4b:s0+s2] =	stream.linear.scatter [tilespmem:s9], [sflag:$0x2], $0xA000, $0x38;
	[tilespmem:$0x1A400] =	vst v63  }
0x151: {  	_ =	swait.ge [sflag:s5], $0xA000  }
0x152: {  	[sflag:s5] =	ssyncset.done $0x0  }
0x153: {  	[sflag:s5] =	ssyncadd.s32 $0xFFFF6000  }
0x154: {  	[tilespmem:s9], [sflag:$0x1] =	stream.indirect.gather [hbm4b:s3+s11], $0x20, s13, s11, $0xb8;
	[tilespmem:$0x1A400] =	vst v63  }
0x155: {  	_ =	swait.ge [sflag:s8], $0xA000  }
0x156: {  	[sflag:s8] =	ssyncset.done $0x0  }
0x157: {  	[sflag:s8] =	ssyncadd.s32 $0xFFFF6000  }
0x158: {  	[hbm4b:s10+s2] =	stream.linear.scatter [tilespmem:s7], [sflag:$0x2], $0xA000, $0x38;
	[tilespmem:$0x1A400] =	vst v63  }
0x159: {  	_ =	swait.ge [sflag:s5], $0xA000  }
0x15a: {  	[sflag:s5] =	ssyncset.done $0x0  }
0x15b: {  	[sflag:s5] =	ssyncadd.s32 $0xFFFF6000  }
0x15c: {  	[tilespmem:s7], [sflag:$0x1] =	stream.indirect.gather [hbm4b:s3+s11], $0x20, s12, s11, $0xb8;
	[tilespmem:$0x1A400] =	vst v63  }
0x15d: {  	_ =	swait.ge [sflag:s8], $0xA000  }
0x15e: {  	[sflag:s8] =	ssyncset.done $0x0  }
0x15f: {  	[sflag:s8] =	ssyncadd.s32 $0xFFFF6000  }
0x160: {  	[hbm4b:s6+s2] =	stream.linear.scatter [tilespmem:s9], [sflag:$0x2], $0xA000, $0x38;
	[tilespmem:$0x1A400] =	vst v63  }
0x161: {  	_ =	swait.ge [sflag:s8], $0xA000  }
0x162: {  	[sflag:s8] =	ssyncset.done $0x0  }
0x163: {  	p1 =	sne.s32 s1, $0x1;
	[sflag:s8] =	ssyncadd.s32 $0xFFFF6000  }
0x164: {  	[hbm4b:s4+s2] =	stream.linear.scatter [tilespmem:s7], [sflag:$0x2], $0xA000, $0x38;
	[tilespmem:$0x1A400] =	vst v63  }
.Ltmp2:
0x165: {  	_ =	swait.ge [sflag:s5], $0xA000;
	(pc) =	sbr.rel @p1 .LBB2_2-.Ltmp2, $4  }
0x166: {  	[sflag:s5] =	ssyncset.done $0x0  }
0x167: {  	[sflag:s5] =	ssyncadd.s32 $0xFFFF6000  }
0x168: {  	_ =	swait.ge [sflag:s5], $0xA000  }
0x169: {  	s1 =	sadd.s32 $0xFFFFFFFF, s1;
	s0 =	rddreg [dreg:$0x3];
	[sflag:s5] =	ssyncset.done $0x0  }
.LBB2_3:
0x16a: {  	[sflag:s5] =	ssyncadd.s32 @p0 $0xFFFF6000  }
0x16b: {  	[tilespmem:s2], [sflag:$0x3] =	stream.linear.gather [hbm4b:s0+s2], $0x6400, $0x38;
	[tilespmem:$0x1A400] =	vst v63  }
0x16c: {  	_ =	swait.ge [sflag:s31], $0x6400  }
0x16d: {  	[sflag:s31] =	ssyncset.done $0x0  }
0x16e: {  	[sflag:s31] =	ssyncadd.s32 $0xFFFF9C00  }
0x16f: {  	[tilespmem:s9], [sflag:$0x1] =	stream.indirect.gather [hbm4b:s3+s11], $0x20, s2, s11, $0xb8;
	[tilespmem:$0x1A400] =	vst v63  }
0x170: {  	_ = 	snop  }
0x171: {  	[tilespmem:s7], [sflag:$0x1] =	stream.indirect.gather [hbm4b:s3+s11], $0x20, s11, s11, $0xb8;
	[tilespmem:$0x1A400] =	vst v63  }
0x172: {  	_ =	swait.ge [sflag:s8], $0xA000  }
0x173: {  	[sflag:s8] =	ssyncset.done $0x0  }
0x174: {  	s1 =	rddreg [dreg:$0x4];
	[sflag:s8] =	ssyncadd.s32 $0xFFFF6000  }
0x175: {  	[hbm4b:s1+s2] =	stream.linear.scatter [tilespmem:s9], [sflag:$0x2], $0xA000, $0x38;
	[tilespmem:$0x1A400] =	vst v63  }
0x176: {  	_ =	swait.ge [sflag:s5], $0xA000  }
0x177: {  	[sflag:s5] =	ssyncset.done $0x0  }
0x178: {  	[sflag:s5] =	ssyncadd.s32 $0xFFFF6000  }
0x179: {  	[tilespmem:s9], [sflag:$0x1] =	stream.indirect.gather [hbm4b:s3+s11], $0x20, s30, s11, $0xb8;
	[tilespmem:$0x1A400] =	vst v63  }
0x17a: {  	_ =	swait.ge [sflag:s8], $0xA000  }
0x17b: {  	[sflag:s8] =	ssyncset.done $0x0  }
0x17c: {  	s30 =	rddreg [dreg:$0x5];
	[sflag:s8] =	ssyncadd.s32 $0xFFFF6000  }
0x17d: {  	[hbm4b:s30+s2] =	stream.linear.scatter [tilespmem:s7], [sflag:$0x2], $0xA000, $0x38;
	[tilespmem:$0x1A400] =	vst v63  }
0x17e: {  	_ =	swait.ge [sflag:s5], $0xA000  }
0x17f: {  	[sflag:s5] =	ssyncset.done $0x0  }
0x180: {  	[sflag:s5] =	ssyncadd.s32 $0xFFFF6000  }
0x181: {  	[tilespmem:s7], [sflag:$0x1] =	stream.indirect.gather [hbm4b:s3+s11], $0x20, s29, s11, $0xb8;
	[tilespmem:$0x1A400] =	vst v63  }
0x182: {  	_ =	swait.ge [sflag:s8], $0xA000  }
0x183: {  	[sflag:s8] =	ssyncset.done $0x0  }
0x184: {  	s31 =	rddreg [dreg:$0x6];
	[sflag:s8] =	ssyncadd.s32 $0xFFFF6000  }
0x185: {  	[hbm4b:s31+s2] =	stream.linear.scatter [tilespmem:s9], [sflag:$0x2], $0xA000, $0x38;
	[tilespmem:$0x1A400] =	vst v63  }
0x186: {  	_ =	swait.ge [sflag:s5], $0xA000  }
0x187: {  	[sflag:s5] =	ssyncset.done $0x0  }
0x188: {  	[sflag:s5] =	ssyncadd.s32 $0xFFFF6000  }
0x189: {  	[tilespmem:s9], [sflag:$0x1] =	stream.indirect.gather [hbm4b:s3+s11], $0x20, s28, s11, $0xb8;
	[tilespmem:$0x1A400] =	vst v63  }
0x18a: {  	_ =	swait.ge [sflag:s8], $0xA000  }
0x18b: {  	[sflag:s8] =	ssyncset.done $0x0  }
0x18c: {  	s1 =	rddreg [dreg:$0x7];
	[sflag:s8] =	ssyncadd.s32 $0xFFFF6000  }
0x18d: {  	[hbm4b:s1+s2] =	stream.linear.scatter [tilespmem:s7], [sflag:$0x2], $0xA000, $0x38;
	[tilespmem:$0x1A400] =	vst v63  }
0x18e: {  	_ =	swait.ge [sflag:s5], $0xA000  }
0x18f: {  	[sflag:s5] =	ssyncset.done $0x0  }
0x190: {  	[sflag:s5] =	ssyncadd.s32 $0xFFFF6000  }
0x191: {  	[tilespmem:s7], [sflag:$0x1] =	stream.indirect.gather [hbm4b:s3+s11], $0x20, s26, s11, $0xb8;
	[tilespmem:$0x1A400] =	vst v63  }
0x192: {  	_ =	swait.ge [sflag:s8], $0xA000  }
0x193: {  	[sflag:s8] =	ssyncset.done $0x0  }
0x194: {  	s28 =	rddreg [dreg:$0x8];
	[sflag:s8] =	ssyncadd.s32 $0xFFFF6000  }
0x195: {  	[hbm4b:s28+s2] =	stream.linear.scatter [tilespmem:s9], [sflag:$0x2], $0xA000, $0x38;
	[tilespmem:$0x1A400] =	vst v63  }
0x196: {  	_ =	swait.ge [sflag:s5], $0xA000  }
0x197: {  	[sflag:s5] =	ssyncset.done $0x0  }
0x198: {  	[sflag:s5] =	ssyncadd.s32 $0xFFFF6000  }
0x199: {  	[tilespmem:s9], [sflag:$0x1] =	stream.indirect.gather [hbm4b:s3+s11], $0x20, s25, s11, $0xb8;
	[tilespmem:$0x1A400] =	vst v63  }
0x19a: {  	_ =	swait.ge [sflag:s8], $0xA000  }
0x19b: {  	[sflag:s8] =	ssyncset.done $0x0  }
0x19c: {  	s29 =	rddreg [dreg:$0x9];
	[sflag:s8] =	ssyncadd.s32 $0xFFFF6000  }
0x19d: {  	[hbm4b:s29+s2] =	stream.linear.scatter [tilespmem:s7], [sflag:$0x2], $0xA000, $0x38;
	[tilespmem:$0x1A400] =	vst v63  }
0x19e: {  	_ =	swait.ge [sflag:s5], $0xA000  }
0x19f: {  	[sflag:s5] =	ssyncset.done $0x0  }
0x1a0: {  	[sflag:s5] =	ssyncadd.s32 $0xFFFF6000  }
0x1a1: {  	[tilespmem:s7], [sflag:$0x1] =	stream.indirect.gather [hbm4b:s3+s11], $0x20, s24, s11, $0xb8;
	[tilespmem:$0x1A400] =	vst v63  }
0x1a2: {  	_ =	swait.ge [sflag:s8], $0xA000  }
0x1a3: {  	[sflag:s8] =	ssyncset.done $0x0  }
0x1a4: {  	s30 =	rddreg [dreg:$0xa];
	[sflag:s8] =	ssyncadd.s32 $0xFFFF6000  }
0x1a5: {  	[hbm4b:s30+s2] =	stream.linear.scatter [tilespmem:s9], [sflag:$0x2], $0xA000, $0x38;
	[tilespmem:$0x1A400] =	vst v63  }
0x1a6: {  	_ =	swait.ge [sflag:s5], $0xA000  }
0x1a7: {  	[sflag:s5] =	ssyncset.done $0x0  }
0x1a8: {  	[sflag:s5] =	ssyncadd.s32 $0xFFFF6000  }
0x1a9: {  	[tilespmem:s9], [sflag:$0x1] =	stream.indirect.gather [hbm4b:s3+s11], $0x20, s23, s11, $0xb8;
	[tilespmem:$0x1A400] =	vst v63  }
0x1aa: {  	_ =	swait.ge [sflag:s8], $0xA000  }
0x1ab: {  	[sflag:s8] =	ssyncset.done $0x0  }
0x1ac: {  	s31 =	rddreg [dreg:$0xb];
	[sflag:s8] =	ssyncadd.s32 $0xFFFF6000  }
0x1ad: {  	[hbm4b:s31+s2] =	stream.linear.scatter [tilespmem:s7], [sflag:$0x2], $0xA000, $0x38;
	[tilespmem:$0x1A400] =	vst v63  }
0x1ae: {  	_ =	swait.ge [sflag:s5], $0xA000  }
0x1af: {  	[sflag:s5] =	ssyncset.done $0x0  }
0x1b0: {  	[sflag:s5] =	ssyncadd.s32 $0xFFFF6000  }
0x1b1: {  	[tilespmem:s7], [sflag:$0x1] =	stream.indirect.gather [hbm4b:s3+s11], $0x20, s22, s11, $0xb8;
	[tilespmem:$0x1A400] =	vst v63  }
0x1b2: {  	_ =	swait.ge [sflag:s8], $0xA000  }
0x1b3: {  	[sflag:s8] =	ssyncset.done $0x0  }
0x1b4: {  	s1 =	rddreg [dreg:$0xc];
	[sflag:s8] =	ssyncadd.s32 $0xFFFF6000  }
0x1b5: {  	[hbm4b:s1+s2] =	stream.linear.scatter [tilespmem:s9], [sflag:$0x2], $0xA000, $0x38;
	[tilespmem:$0x1A400] =	vst v63  }
0x1b6: {  	_ =	swait.ge [sflag:s5], $0xA000  }
0x1b7: {  	[sflag:s5] =	ssyncset.done $0x0  }
0x1b8: {  	[sflag:s5] =	ssyncadd.s32 $0xFFFF6000  }
0x1b9: {  	[tilespmem:s9], [sflag:$0x1] =	stream.indirect.gather [hbm4b:s3+s11], $0x20, s21, s11, $0xb8;
	[tilespmem:$0x1A400] =	vst v63  }
0x1ba: {  	_ =	swait.ge [sflag:s8], $0xA000  }
0x1bb: {  	[sflag:s8] =	ssyncset.done $0x0  }
0x1bc: {  	s22 =	rddreg [dreg:$0xd];
	[sflag:s8] =	ssyncadd.s32 $0xFFFF6000  }
0x1bd: {  	[hbm4b:s22+s2] =	stream.linear.scatter [tilespmem:s7], [sflag:$0x2], $0xA000, $0x38;
	[tilespmem:$0x1A400] =	vst v63  }
0x1be: {  	_ =	swait.ge [sflag:s5], $0xA000  }
0x1bf: {  	[sflag:s5] =	ssyncset.done $0x0  }
0x1c0: {  	[sflag:s5] =	ssyncadd.s32 $0xFFFF6000  }
0x1c1: {  	[tilespmem:s7], [sflag:$0x1] =	stream.indirect.gather [hbm4b:s3+s11], $0x20, s20, s11, $0xb8;
	[tilespmem:$0x1A400] =	vst v63  }
0x1c2: {  	_ =	swait.ge [sflag:s8], $0xA000  }
0x1c3: {  	[sflag:s8] =	ssyncset.done $0x0  }
0x1c4: {  	s23 =	rddreg [dreg:$0xe];
	[sflag:s8] =	ssyncadd.s32 $0xFFFF6000  }
0x1c5: {  	[hbm4b:s23+s2] =	stream.linear.scatter [tilespmem:s9], [sflag:$0x2], $0xA000, $0x38;
	[tilespmem:$0x1A400] =	vst v63  }
0x1c6: {  	_ =	swait.ge [sflag:s5], $0xA000  }
0x1c7: {  	[sflag:s5] =	ssyncset.done $0x0  }
0x1c8: {  	[sflag:s5] =	ssyncadd.s32 $0xFFFF6000  }
0x1c9: {  	[tilespmem:s9], [sflag:$0x1] =	stream.indirect.gather [hbm4b:s3+s11], $0x20, s19, s11, $0xb8;
	[tilespmem:$0x1A400] =	vst v63  }
0x1ca: {  	_ =	swait.ge [sflag:s8], $0xA000  }
0x1cb: {  	[sflag:s8] =	ssyncset.done $0x0  }
0x1cc: {  	s24 =	rddreg [dreg:$0xf];
	[sflag:s8] =	ssyncadd.s32 $0xFFFF6000  }
0x1cd: {  	[hbm4b:s24+s2] =	stream.linear.scatter [tilespmem:s7], [sflag:$0x2], $0xA000, $0x38;
	[tilespmem:$0x1A400] =	vst v63  }
0x1ce: {  	_ =	swait.ge [sflag:s5], $0xA000  }
0x1cf: {  	[sflag:s5] =	ssyncset.done $0x0  }
0x1d0: {  	[sflag:s5] =	ssyncadd.s32 $0xFFFF6000  }
0x1d1: {  	[tilespmem:s7], [sflag:$0x1] =	stream.indirect.gather [hbm4b:s3+s11], $0x20, s18, s11, $0xb8;
	[tilespmem:$0x1A400] =	vst v63  }
0x1d2: {  	_ =	swait.ge [sflag:s8], $0xA000  }
0x1d3: {  	[sflag:s8] =	ssyncset.done $0x0  }
0x1d4: {  	s25 =	rddreg [dreg:$0x10];
	[sflag:s8] =	ssyncadd.s32 $0xFFFF6000  }
0x1d5: {  	[hbm4b:s25+s2] =	stream.linear.scatter [tilespmem:s9], [sflag:$0x2], $0xA000, $0x38;
	[tilespmem:$0x1A400] =	vst v63  }
0x1d6: {  	_ =	swait.ge [sflag:s5], $0xA000  }
0x1d7: {  	[sflag:s5] =	ssyncset.done $0x0  }
0x1d8: {  	[sflag:s5] =	ssyncadd.s32 $0xFFFF6000  }
0x1d9: {  	[tilespmem:s9], [sflag:$0x1] =	stream.indirect.gather [hbm4b:s3+s11], $0x20, s17, s11, $0xb8;
	[tilespmem:$0x1A400] =	vst v63  }
0x1da: {  	_ =	swait.ge [sflag:s8], $0xA000  }
0x1db: {  	[sflag:s8] =	ssyncset.done $0x0  }
0x1dc: {  	s26 =	rddreg [dreg:$0x11];
	[sflag:s8] =	ssyncadd.s32 $0xFFFF6000  }
0x1dd: {  	[hbm4b:s26+s2] =	stream.linear.scatter [tilespmem:s7], [sflag:$0x2], $0xA000, $0x38;
	[tilespmem:$0x1A400] =	vst v63  }
0x1de: {  	_ =	swait.ge [sflag:s5], $0xA000  }
0x1df: {  	[sflag:s5] =	ssyncset.done $0x0  }
0x1e0: {  	[sflag:s5] =	ssyncadd.s32 $0xFFFF6000  }
0x1e1: {  	[tilespmem:s7], [sflag:$0x1] =	stream.indirect.gather [hbm4b:s3+s11], $0x20, s16, s11, $0xb8;
	[tilespmem:$0x1A400] =	vst v63  }
0x1e2: {  	_ =	swait.ge [sflag:s8], $0xA000  }
0x1e3: {  	[sflag:s8] =	ssyncset.done $0x0  }
0x1e4: {  	s28 =	rddreg [dreg:$0x12];
	[sflag:s8] =	ssyncadd.s32 $0xFFFF6000  }
0x1e5: {  	[hbm4b:s28+s2] =	stream.linear.scatter [tilespmem:s9], [sflag:$0x2], $0xA000, $0x38;
	[tilespmem:$0x1A400] =	vst v63  }
0x1e6: {  	_ =	swait.ge [sflag:s5], $0xA000  }
0x1e7: {  	[sflag:s5] =	ssyncset.done $0x0  }
0x1e8: {  	[sflag:s5] =	ssyncadd.s32 $0xFFFF6000  }
0x1e9: {  	[tilespmem:s9], [sflag:$0x1] =	stream.indirect.gather [hbm4b:s3+s11], $0x20, s15, s11, $0xb8;
	[tilespmem:$0x1A400] =	vst v63  }
0x1ea: {  	_ =	swait.ge [sflag:s8], $0xA000  }
0x1eb: {  	[sflag:s8] =	ssyncset.done $0x0  }
0x1ec: {  	s29 =	rddreg [dreg:$0x13];
	[sflag:s8] =	ssyncadd.s32 $0xFFFF6000  }
0x1ed: {  	[hbm4b:s29+s2] =	stream.linear.scatter [tilespmem:s7], [sflag:$0x2], $0xA000, $0x38;
	[tilespmem:$0x1A400] =	vst v63  }
0x1ee: {  	_ =	swait.ge [sflag:s5], $0xA000  }
0x1ef: {  	[sflag:s5] =	ssyncset.done $0x0  }
0x1f0: {  	[sflag:s5] =	ssyncadd.s32 $0xFFFF6000  }
0x1f1: {  	[tilespmem:s7], [sflag:$0x1] =	stream.indirect.gather [hbm4b:s3+s11], $0x20, s14, s11, $0xb8;
	[tilespmem:$0x1A400] =	vst v63  }
0x1f2: {  	_ =	swait.ge [sflag:s8], $0xA000  }
0x1f3: {  	[sflag:s8] =	ssyncset.done $0x0  }
0x1f4: {  	s30 =	rddreg [dreg:$0x14];
	[sflag:s8] =	ssyncadd.s32 $0xFFFF6000  }
0x1f5: {  	[hbm4b:s30+s2] =	stream.linear.scatter [tilespmem:s9], [sflag:$0x2], $0xA000, $0x38;
	[tilespmem:$0x1A400] =	vst v63  }
0x1f6: {  	_ =	swait.ge [sflag:s5], $0xA000  }
0x1f7: {  	[sflag:s5] =	ssyncset.done $0x0  }
0x1f8: {  	[sflag:s5] =	ssyncadd.s32 $0xFFFF6000  }
0x1f9: {  	[tilespmem:s9], [sflag:$0x1] =	stream.indirect.gather [hbm4b:s3+s11], $0x20, s13, s11, $0xb8;
	[tilespmem:$0x1A400] =	vst v63  }
0x1fa: {  	_ =	swait.ge [sflag:s8], $0xA000  }
0x1fb: {  	[sflag:s8] =	ssyncset.done $0x0  }
0x1fc: {  	[sflag:s8] =	ssyncadd.s32 $0xFFFF6000  }
0x1fd: {  	[hbm4b:s10+s2] =	stream.linear.scatter [tilespmem:s7], [sflag:$0x2], $0xA000, $0x38;
	[tilespmem:$0x1A400] =	vst v63  }
0x1fe: {  	_ =	swait.ge [sflag:s5], $0xA000  }
0x1ff: {  	[sflag:s5] =	ssyncset.done $0x0  }
0x200: {  	[sflag:s5] =	ssyncadd.s32 $0xFFFF6000  }
0x201: {  	[tilespmem:s7], [sflag:$0x1] =	stream.indirect.gather [hbm4b:s3+s11], $0x20, s12, s11, $0xb8;
	[tilespmem:$0x1A400] =	vst v63  }
0x202: {  	_ =	swait.ge [sflag:s8], $0xA000  }
0x203: {  	[sflag:s8] =	ssyncset.done $0x0  }
0x204: {  	[sflag:s8] =	ssyncadd.s32 $0xFFFF6000  }
0x205: {  	[hbm4b:s6+s2] =	stream.linear.scatter [tilespmem:s9], [sflag:$0x2], $0xA000, $0x38;
	[tilespmem:$0x1A400] =	vst v63  }
0x206: {  	_ =	swait.ge [sflag:s8], $0xA000  }
0x207: {  	[sflag:s8] =	ssyncset.done $0x0  }
0x208: {  	[sflag:s8] =	ssyncadd.s32 $0xFFFF6000  }
0x209: {  	[hbm4b:s4+s2] =	stream.linear.scatter [tilespmem:s7], [sflag:$0x2], $0xA000, $0x38;
	[tilespmem:$0x1A400] =	vst v63  }
0x20a: {  	_ =	swait.ge [sflag:s5], $0xA000  }
0x20b: {  	[sflag:s5] =	ssyncset.done $0x0  }
0x20c: {  	[sflag:s5] =	ssyncadd.s32 $0xFFFF6000  }
0x20d: {  	_ =	swait.ge [sflag:s5], $0xA000  }
0x20e: {  	[sflag:s5] =	ssyncset.done $0x0  }
0x20f: {  	[sflag:s5] =	ssyncadd.s32 $0xFFFF6000  }
0x210: {  	_ =	sfence.sel $0x180000  }
0x211: {  	[bflag:$0x0] =	sbarrier.arrive $0xFFFF  }
0x212: {  	_ =	strace $0x90000047  }
0x213: {  	s31 =	stileid.u32;
	[bflag:$0x2] =	sbarrier.arrive $0xFFFF  }
0x214: {  	p0 =	sne.s32 s31, $0x0;
	s0 =	rddreg [dreg:$0x2]  }
0x215: {  	s0 =	sadd.s32 @!p0 $0x100000, s0  }
0x216: {  	[sflag:s0] =	ssyncadd.tile.s32 @!p0 $0x1;
	_ =	shalt  }
.Lfunc_end2:
_tile_overlayer_lowered:
.L_overlay_start_2:
0x217: {  	(tag) =	ssettag $0x2  }
0x218: {  	s0 =	rddreg [dreg:$0x0];
	s2 =	stileid.u32  }
0x219: {  	s1 =	rddreg [dreg:$0x1];
	p0 =	sne.s32 s2, $0x0  }
0x21a: {  	s3 =	rddreg [dreg:$0x2];
	[bflag:$0x3] =	sbarrier.arrive $0xFFFF;
	s2 =	simm.s32 @!p0 $0x1C03  }
0x21b: {  	[timem:s3], [sflag:s2] =	dma.local @!p0 [hbm:s0], s1  }
0x21c: {  	s0 =	simm.s32 @!p0 $0x3  }
0x21d: {  	_ =	swait.ge @!p0 [sflag:s0], s1  }
0x21e: {  	s1 =	ssub.s32 @!p0 $0x0, s1;
	[sflag:s0] =	ssyncset.done @!p0 $0x0  }
0x21f: {  	[sflag:s0] =	ssyncadd.s32 @!p0 s1  }
0x220: {  	[bflag:$0x3] =	sbarrier.arrive $0xFFFF  }
0x221: {  	_ =	shalt  }

</sc_bundles>
